<compile_context>
chip_gen: v7x
topology: tpu7x:2x2x1
jax: 0.10.2.dev20260603
libtpu: 0.0.44.dev20260713+nightly
codegen_flags: <defaults>
</compile_context>

<pallas_src>
import functools

import jax
import jax.numpy as jnp
from jax import lax
from jax.experimental import pallas as pl
from jax.experimental.pallas import tpu as pltpu
from jax.experimental.pallas import tpu_sc as plsc

B = 4096
K = 16
DIM = 1024

NC = 2
NS = 16
NW = NC * NS
L = 16

BPW = B // NW
CH = 16
NCH = BPW // CH
VPR = DIM // L
NBUF = 2

_mesh = plsc.VectorSubcoreMesh(core_axis_name="c", subcore_axis_name="s")


@functools.partial(
    pl.kernel,
    out_type=jax.ShapeDtypeStruct((NW, L), jnp.float32),
    mesh=_mesh,
    scratch_types=[
        pltpu.VMEM((BPW,), jnp.int32),
        pltpu.VMEM((BPW,), jnp.int32),
        pltpu.VMEM((NBUF, CH, DIM), jnp.float32),
        pltpu.VMEM((NBUF, CH, DIM), jnp.float32),
        pltpu.VMEM((L,), jnp.float32),
        [pltpu.SemaphoreType.DMA] * NBUF,
        [pltpu.SemaphoreType.DMA] * NBUF,
    ],
)
def _sc_partial_sums(in_hbm, dec_hbm, lbl_hbm, out_hbm,
                     lbl_v, idx_v, dec_buf, in_buf, acc_buf, sg, si):
    wid = lax.axis_index("s") * NC + lax.axis_index("c")
    base = wid * BPW

    def start_in(c, s):
        pltpu.async_copy(
            in_hbm.at[pl.ds(base + c * CH, CH)], in_buf.at[s], si[s])

    start_in(0, 0)
    start_in(1, 1)

    pltpu.sync_copy(lbl_hbm.at[pl.ds(base, BPW)], lbl_v)
    lane = lax.iota(jnp.int32, L)
    for c in range(BPW // L):
        lbl = lbl_v[pl.ds(c * L, L)]
        idx_v[pl.ds(c * L, L)] = (base + c * L) * K + lane * K + lbl

    def start_g(c, s):
        pltpu.async_copy(
            dec_hbm.at[idx_v.at[pl.ds(c * CH, CH)]], dec_buf.at[s], sg[s])

    def start(c, s):
        start_g(c, s)
        start_in(c, s)

    def wait(c, s):
        pltpu.make_async_copy(
            dec_hbm.at[idx_v.at[pl.ds(c * CH, CH)]], dec_buf.at[s],
            sg[s]).wait()
        pltpu.make_async_copy(
            in_hbm.at[pl.ds(base + c * CH, CH)], in_buf.at[s],
            si[s]).wait()

    def compute(s, acc):
        def quarter_body(h, acc):
            r = lax.shift_right_logical(h, 2)
            off = (h & 3) * (DIM // 4)
            for v in range(VPR // 4):
                d = (dec_buf[s, r, pl.ds(off + v * L, L)]
                     - in_buf[s, r, pl.ds(off + v * L, L)])
                acc = acc + d * d
            return acc

        return lax.fori_loop(0, 4 * CH, quarter_body, acc)

    start_g(0, 0)
    start_g(1, 1)

    def pair_body(t, acc):
        c0 = 2 * t
        wait(c0, 0)
        acc = compute(0, acc)

        @pl.when(t + 1 < NCH // 2)
        def _():
            start(c0 + 2, 0)

        wait(c0 + 1, 1)
        acc = compute(1, acc)

        @pl.when(t + 1 < NCH // 2)
        def _():
            start(c0 + 3, 1)

        return acc

    acc = lax.fori_loop(0, NCH // 2, pair_body,
                        jnp.zeros((L,), jnp.float32))

    acc_buf[...] = acc
    pltpu.sync_copy(acc_buf, out_hbm.at[wid])


def _tc_finish_body(p_ref, o_ref):
    o_ref[0, 0] = jnp.sqrt(jnp.sum(p_ref[...])) / B


_tc_finish = pl.pallas_call(
    _tc_finish_body,
    out_shape=jax.ShapeDtypeStruct((1, 1), jnp.float32),
    out_specs=pl.BlockSpec(memory_space=pltpu.SMEM),
)


def kernel(inputs, decoded, labels):
    dec_flat = decoded.reshape(B * K, DIM)
    lbl = labels.astype(jnp.int32)
    partials = _sc_partial_sums(inputs, dec_flat, lbl)
    return _tc_finish(partials)[0, 0]

# --- scband reference (transcript-rebuilt; emitter-appended) ---
"""Pipeline reference for scband-mseloss-62294205661188 (READ-ONLY COPY).

The authoritative reference and input builder live on the scoring server;
editing this copy changes nothing except your own understanding.
"""

import jax, jax.numpy as jnp
import numpy as np

B = 4096
K = 16
DIM = 1024

def setup_inputs(seed: int = 0) -> dict:
    key = jax.random.key(seed)
    k1, k2, k3 = jax.random.split(key, 3)
    inputs = jax.random.normal(k1, (B, DIM), dtype=jnp.float32)
    decoded = jax.random.normal(k2, (B, K, DIM), dtype=jnp.float32)
    labels = jax.random.randint(k3, (B,), 0, K, dtype=jnp.int64)
    return {"inputs": inputs, "decoded": decoded, "labels": labels}

def reference(inputs, decoded, labels):
    # obj=True branch of the original torch module
    index_dim0 = jnp.arange(labels.shape[0])
    decoded_tar = decoded[index_dim0, labels]  # (B, dim) gather along K axis
    dist = jnp.sqrt(jnp.sum(jnp.square(inputs - decoded_tar)))
    loss = dist / labels.shape[0]
    return loss

if __name__ == "__main__":
    import jax
    _d = setup_inputs()
    print(jax.jit(kernel)(*tuple(_d.values())))

</pallas_src>

<mosaic_0001>
#map = affine_map<(d0, d1) -> (0, 0)>
#map1 = affine_map<(d0, d1) -> (0)>
module attributes {stable_mosaic.version = 14 : i64} {
  func.func @_sc_partial_sums(%arg0: i32, %arg1: i32, %arg2: memref<4096x1024xf32, #tpu.memory_space<hbm>>, %arg3: memref<65536x1024xf32, #tpu.memory_space<hbm>>, %arg4: memref<4096xi32, #tpu.memory_space<hbm>>, %arg5: memref<32x16xf32, #tpu.memory_space<hbm>>, %arg6: memref<128xi32, #tpu.memory_space<vmem>>, %arg7: memref<128xi32, #tpu.memory_space<vmem>>, %arg8: memref<2x16x1024xf32, #tpu.memory_space<vmem>>, %arg9: memref<2x16x1024xf32, #tpu.memory_space<vmem>>, %arg10: memref<16xf32, #tpu.memory_space<vmem>>, %arg11: memref<!tpu.dma_semaphore, #tpu.memory_space<semaphore_mem>>, %arg12: memref<!tpu.dma_semaphore, #tpu.memory_space<semaphore_mem>>, %arg13: memref<!tpu.dma_semaphore, #tpu.memory_space<semaphore_mem>>, %arg14: memref<!tpu.dma_semaphore, #tpu.memory_space<semaphore_mem>>) attributes {dimension_semantics = [#tpu.dimension_semantics<core_parallel>, #tpu.dimension_semantics<subcore_parallel>], iteration_bounds = array<i64: 2, 16>, scalar_prefetch = 0 : i64, scratch_operands = 9 : i64, tpu.core_type = #tpu.core_type<sc_vector_subcore>, window_params = [{transform_indices = #map}, {transform_indices = #map}, {transform_indices = #map1}, {transform_indices = #map}]} {
    %mul3A = arith.constant 2 : i32
    %mul3A_0 = arith.muli %arg1, %mul3A : i32
    %add3A = arith.addi %mul3A_0, %arg0 : i32
    %mul3A_1 = arith.constant 128 : i32
    %mul3A_2 = arith.muli %add3A, %mul3A_1 : i32
    %add3A_3 = arith.constant 0 : i32
    %add3A_4 = arith.addi %mul3A_2, %add3A_3 : i32
    %dma_start3A = arith.constant 0 : i32
    %dma_start3A_5 = arith.constant 0 : i32
    %dma_start3A_6 = arith.constant 0 : i32
    %dma_start3A_7 = tpu.memref_slice %arg9[%dma_start3A, %dma_start3A_5, %dma_start3A_6] : memref<2x16x1024xf32, #tpu.memory_space<vmem>> -> memref<1x16x1024xf32, #tpu.memory_space<vmem>>
    %dma_start3A_8 = tpu.memref_squeeze %dma_start3A_7 : memref<1x16x1024xf32, #tpu.memory_space<vmem>> -> memref<16x1024xf32, #tpu.memory_space<vmem>>
    %dma_start3A_9 = arith.constant 0 : i32
    %dma_start3A_10 = tpu.memref_slice %arg2[%add3A_4, %dma_start3A_9] : memref<4096x1024xf32, #tpu.memory_space<hbm>> -> memref<16x1024xf32, #tpu.memory_space<hbm>>
    %dma_start3A_11 = arith.constant 0 : i32
    %dma_start3A_12 = arith.constant 0 : i32
    %dma_start3A_13 = tpu.memref_slice %arg9[%dma_start3A, %dma_start3A_11, %dma_start3A_12] : memref<2x16x1024xf32, #tpu.memory_space<vmem>> -> memref<1x16x1024xf32, #tpu.memory_space<vmem>>
    %dma_start3A_14 = tpu.memref_squeeze %dma_start3A_13 : memref<1x16x1024xf32, #tpu.memory_space<vmem>> -> memref<16x1024xf32, #tpu.memory_space<vmem>>
    %dma_start3A_15 = arith.constant 0 : i32
    %dma_start3A_16 = tpu.memref_slice %arg2[%add3A_4, %dma_start3A_15] : memref<4096x1024xf32, #tpu.memory_space<hbm>> -> memref<16x1024xf32, #tpu.memory_space<hbm>>
    tpu.enqueue_dma source(%dma_start3A_16 : memref<16x1024xf32, #tpu.memory_space<hbm>>) target(%dma_start3A_14 : memref<16x1024xf32, #tpu.memory_space<vmem>>) target_semaphore(%arg13 : memref<!tpu.dma_semaphore, #tpu.memory_space<semaphore_mem>>)
    %add3A_17 = arith.constant 16 : i32
    %add3A_18 = arith.addi %mul3A_2, %add3A_17 : i32
    %dma_start3A_19 = arith.constant 1 : i32
    %dma_start3A_20 = arith.constant 0 : i32
    %dma_start3A_21 = arith.constant 0 : i32
    %dma_start3A_22 = tpu.memref_slice %arg9[%dma_start3A_19, %dma_start3A_20, %dma_start3A_21] : memref<2x16x1024xf32, #tpu.memory_space<vmem>> -> memref<1x16x1024xf32, #tpu.memory_space<vmem>>
    %dma_start3A_23 = tpu.memref_squeeze %dma_start3A_22 : memref<1x16x1024xf32, #tpu.memory_space<vmem>> -> memref<16x1024xf32, #tpu.memory_space<vmem>>
    %dma_start3A_24 = arith.constant 0 : i32
    %dma_start3A_25 = tpu.memref_slice %arg2[%add3A_18, %dma_start3A_24] : memref<4096x1024xf32, #tpu.memory_space<hbm>> -> memref<16x1024xf32, #tpu.memory_space<hbm>>
    %dma_start3A_26 = arith.constant 0 : i32
    %dma_start3A_27 = arith.constant 0 : i32
    %dma_start3A_28 = tpu.memref_slice %arg9[%dma_start3A_19, %dma_start3A_26, %dma_start3A_27] : memref<2x16x1024xf32, #tpu.memory_space<vmem>> -> memref<1x16x1024xf32, #tpu.memory_space<vmem>>
    %dma_start3A_29 = tpu.memref_squeeze %dma_start3A_28 : memref<1x16x1024xf32, #tpu.memory_space<vmem>> -> memref<16x1024xf32, #tpu.memory_space<vmem>>
    %dma_start3A_30 = arith.constant 0 : i32
    %dma_start3A_31 = tpu.memref_slice %arg2[%add3A_18, %dma_start3A_30] : memref<4096x1024xf32, #tpu.memory_space<hbm>> -> memref<16x1024xf32, #tpu.memory_space<hbm>>
    tpu.enqueue_dma source(%dma_start3A_31 : memref<16x1024xf32, #tpu.memory_space<hbm>>) target(%dma_start3A_29 : memref<16x1024xf32, #tpu.memory_space<vmem>>) target_semaphore(%arg14 : memref<!tpu.dma_semaphore, #tpu.memory_space<semaphore_mem>>)
    "tpu.region"() ({
      %run_scoped3A = tpu.sem_alloc : memref<!tpu.dma_semaphore, #tpu.memory_space<semaphore_mem>>
      %dma_start3A_196 = tpu.memref_slice %arg4[%mul3A_2] : memref<4096xi32, #tpu.memory_space<hbm>> -> memref<128xi32, #tpu.memory_space<hbm>>
      %dma_start3A_197 = tpu.memref_slice %arg4[%mul3A_2] : memref<4096xi32, #tpu.memory_space<hbm>> -> memref<128xi32, #tpu.memory_space<hbm>>
      tpu.enqueue_dma source(%dma_start3A_197 : memref<128xi32, #tpu.memory_space<hbm>>) target(%arg6 : memref<128xi32, #tpu.memory_space<vmem>>) target_semaphore(%run_scoped3A : memref<!tpu.dma_semaphore, #tpu.memory_space<semaphore_mem>>)
      %dma_wait3A = tpu.memref_slice %arg4[%mul3A_2] : memref<4096xi32, #tpu.memory_space<hbm>> -> memref<128xi32, #tpu.memory_space<hbm>>
      %dma_wait3A_198 = tpu.memref_slice %arg4[%mul3A_2] : memref<4096xi32, #tpu.memory_space<hbm>> -> memref<128xi32, #tpu.memory_space<hbm>>
      tpu.wait_dma2 semaphore(%run_scoped3A : memref<!tpu.dma_semaphore, #tpu.memory_space<semaphore_mem>>) src(%dma_wait3A_198 : memref<128xi32, #tpu.memory_space<hbm>>) dst(%arg6 : memref<128xi32, #tpu.memory_space<vmem>>)
      tpu.yield
    }) : () -> ()
    %iota3A = tpu.iota {dimensions = array<i32: 0>} : vector<16xi32>
    %get3A = arith.constant 0 : index
    %get3A_32 = tpu.vector_load %arg6[%get3A] {strides = array<i32>} : memref<128xi32, #tpu.memory_space<vmem>>, vector<16xi32>,
    %get3A_33 = vector.shape_cast %get3A_32 : vector<16xi32> to vector<16xi32>
    %add3A_34 = arith.constant 0 : i32
    %add3A_35 = arith.addi %mul3A_2, %add3A_34 : i32
    %mul3A_36 = arith.constant 16 : i32
    %mul3A_37 = arith.muli %add3A_35, %mul3A_36 : i32
    %mul3A_38 = arith.constant 16 : i32
    %mul3A_39 = vector.broadcast %mul3A_38 : i32 to vector<16xi32>
    %mul3A_40 = arith.muli %iota3A, %mul3A_39 : vector<16xi32>
    %add3A_41 = vector.broadcast %mul3A_37 : i32 to vector<16xi32>
    %add3A_42 = arith.addi %add3A_41, %mul3A_40 : vector<16xi32>
    %add3A_43 = arith.addi %add3A_42, %get3A_33 : vector<16xi32>
    %swap3A = arith.constant 0 : index
    %swap3A_44 = tpu.vector_load %arg7[%swap3A] {strides = array<i32>} : memref<128xi32, #tpu.memory_space<vmem>>, vector<16xi32>,
    %swap3A_45 = vector.shape_cast %swap3A_44 : vector<16xi32> to vector<16xi32>
    %swap3A_46 = vector.shape_cast %add3A_43 : vector<16xi32> to vector<16xi32>
    tpu.vector_store %arg7[%swap3A], %swap3A_46 {strides = array<i32>} : memref<128xi32, #tpu.memory_space<vmem>>, vector<16xi32>,
    %get3A_47 = arith.constant 16 : index
    %get3A_48 = tpu.vector_load %arg6[%get3A_47] {strides = array<i32>} : memref<128xi32, #tpu.memory_space<vmem>>, vector<16xi32>,
    %get3A_49 = vector.shape_cast %get3A_48 : vector<16xi32> to vector<16xi32>
    %add3A_50 = arith.constant 16 : i32
    %add3A_51 = arith.addi %mul3A_2, %add3A_50 : i32
    %mul3A_52 = arith.constant 16 : i32
    %mul3A_53 = arith.muli %add3A_51, %mul3A_52 : i32
    %mul3A_54 = arith.constant 16 : i32
    %mul3A_55 = vector.broadcast %mul3A_54 : i32 to vector<16xi32>
    %mul3A_56 = arith.muli %iota3A, %mul3A_55 : vector<16xi32>
    %add3A_57 = vector.broadcast %mul3A_53 : i32 to vector<16xi32>
    %add3A_58 = arith.addi %add3A_57, %mul3A_56 : vector<16xi32>
    %add3A_59 = arith.addi %add3A_58, %get3A_49 : vector<16xi32>
    %swap3A_60 = arith.constant 16 : index
    %swap3A_61 = tpu.vector_load %arg7[%swap3A_60] {strides = array<i32>} : memref<128xi32, #tpu.memory_space<vmem>>, vector<16xi32>,
    %swap3A_62 = vector.shape_cast %swap3A_61 : vector<16xi32> to vector<16xi32>
    %swap3A_63 = vector.shape_cast %add3A_59 : vector<16xi32> to vector<16xi32>
    tpu.vector_store %arg7[%swap3A_60], %swap3A_63 {strides = array<i32>} : memref<128xi32, #tpu.memory_space<vmem>>, vector<16xi32>,
    %get3A_64 = arith.constant 32 : index
    %get3A_65 = tpu.vector_load %arg6[%get3A_64] {strides = array<i32>} : memref<128xi32, #tpu.memory_space<vmem>>, vector<16xi32>,
    %get3A_66 = vector.shape_cast %get3A_65 : vector<16xi32> to vector<16xi32>
    %add3A_67 = arith.constant 32 : i32
    %add3A_68 = arith.addi %mul3A_2, %add3A_67 : i32
    %mul3A_69 = arith.constant 16 : i32
    %mul3A_70 = arith.muli %add3A_68, %mul3A_69 : i32
    %mul3A_71 = arith.constant 16 : i32
    %mul3A_72 = vector.broadcast %mul3A_71 : i32 to vector<16xi32>
    %mul3A_73 = arith.muli %iota3A, %mul3A_72 : vector<16xi32>
    %add3A_74 = vector.broadcast %mul3A_70 : i32 to vector<16xi32>
    %add3A_75 = arith.addi %add3A_74, %mul3A_73 : vector<16xi32>
    %add3A_76 = arith.addi %add3A_75, %get3A_66 : vector<16xi32>
    %swap3A_77 = arith.constant 32 : index
    %swap3A_78 = tpu.vector_load %arg7[%swap3A_77] {strides = array<i32>} : memref<128xi32, #tpu.memory_space<vmem>>, vector<16xi32>,
    %swap3A_79 = vector.shape_cast %swap3A_78 : vector<16xi32> to vector<16xi32>
    %swap3A_80 = vector.shape_cast %add3A_76 : vector<16xi32> to vector<16xi32>
    tpu.vector_store %arg7[%swap3A_77], %swap3A_80 {strides = array<i32>} : memref<128xi32, #tpu.memory_space<vmem>>, vector<16xi32>,
    %get3A_81 = arith.constant 48 : index
    %get3A_82 = tpu.vector_load %arg6[%get3A_81] {strides = array<i32>} : memref<128xi32, #tpu.memory_space<vmem>>, vector<16xi32>,
    %get3A_83 = vector.shape_cast %get3A_82 : vector<16xi32> to vector<16xi32>
    %add3A_84 = arith.constant 48 : i32
    %add3A_85 = arith.addi %mul3A_2, %add3A_84 : i32
    %mul3A_86 = arith.constant 16 : i32
    %mul3A_87 = arith.muli %add3A_85, %mul3A_86 : i32
    %mul3A_88 = arith.constant 16 : i32
    %mul3A_89 = vector.broadcast %mul3A_88 : i32 to vector<16xi32>
    %mul3A_90 = arith.muli %iota3A, %mul3A_89 : vector<16xi32>
    %add3A_91 = vector.broadcast %mul3A_87 : i32 to vector<16xi32>
    %add3A_92 = arith.addi %add3A_91, %mul3A_90 : vector<16xi32>
    %add3A_93 = arith.addi %add3A_92, %get3A_83 : vector<16xi32>
    %swap3A_94 = arith.constant 48 : index
    %swap3A_95 = tpu.vector_load %arg7[%swap3A_94] {strides = array<i32>} : memref<128xi32, #tpu.memory_space<vmem>>, vector<16xi32>,
    %swap3A_96 = vector.shape_cast %swap3A_95 : vector<16xi32> to vector<16xi32>
    %swap3A_97 = vector.shape_cast %add3A_93 : vector<16xi32> to vector<16xi32>
    tpu.vector_store %arg7[%swap3A_94], %swap3A_97 {strides = array<i32>} : memref<128xi32, #tpu.memory_space<vmem>>, vector<16xi32>,
    %get3A_98 = arith.constant 64 : index
    %get3A_99 = tpu.vector_load %arg6[%get3A_98] {strides = array<i32>} : memref<128xi32, #tpu.memory_space<vmem>>, vector<16xi32>,
    %get3A_100 = vector.shape_cast %get3A_99 : vector<16xi32> to vector<16xi32>
    %add3A_101 = arith.constant 64 : i32
    %add3A_102 = arith.addi %mul3A_2, %add3A_101 : i32
    %mul3A_103 = arith.constant 16 : i32
    %mul3A_104 = arith.muli %add3A_102, %mul3A_103 : i32
    %mul3A_105 = arith.constant 16 : i32
    %mul3A_106 = vector.broadcast %mul3A_105 : i32 to vector<16xi32>
    %mul3A_107 = arith.muli %iota3A, %mul3A_106 : vector<16xi32>
    %add3A_108 = vector.broadcast %mul3A_104 : i32 to vector<16xi32>
    %add3A_109 = arith.addi %add3A_108, %mul3A_107 : vector<16xi32>
    %add3A_110 = arith.addi %add3A_109, %get3A_100 : vector<16xi32>
    %swap3A_111 = arith.constant 64 : index
    %swap3A_112 = tpu.vector_load %arg7[%swap3A_111] {strides = array<i32>} : memref<128xi32, #tpu.memory_space<vmem>>, vector<16xi32>,
    %swap3A_113 = vector.shape_cast %swap3A_112 : vector<16xi32> to vector<16xi32>
    %swap3A_114 = vector.shape_cast %add3A_110 : vector<16xi32> to vector<16xi32>
    tpu.vector_store %arg7[%swap3A_111], %swap3A_114 {strides = array<i32>} : memref<128xi32, #tpu.memory_space<vmem>>, vector<16xi32>,
    %get3A_115 = arith.constant 80 : index
    %get3A_116 = tpu.vector_load %arg6[%get3A_115] {strides = array<i32>} : memref<128xi32, #tpu.memory_space<vmem>>, vector<16xi32>,
    %get3A_117 = vector.shape_cast %get3A_116 : vector<16xi32> to vector<16xi32>
    %add3A_118 = arith.constant 80 : i32
    %add3A_119 = arith.addi %mul3A_2, %add3A_118 : i32
    %mul3A_120 = arith.constant 16 : i32
    %mul3A_121 = arith.muli %add3A_119, %mul3A_120 : i32
    %mul3A_122 = arith.constant 16 : i32
    %mul3A_123 = vector.broadcast %mul3A_122 : i32 to vector<16xi32>
    %mul3A_124 = arith.muli %iota3A, %mul3A_123 : vector<16xi32>
    %add3A_125 = vector.broadcast %mul3A_121 : i32 to vector<16xi32>
    %add3A_126 = arith.addi %add3A_125, %mul3A_124 : vector<16xi32>
    %add3A_127 = arith.addi %add3A_126, %get3A_117 : vector<16xi32>
    %swap3A_128 = arith.constant 80 : index
    %swap3A_129 = tpu.vector_load %arg7[%swap3A_128] {strides = array<i32>} : memref<128xi32, #tpu.memory_space<vmem>>, vector<16xi32>,
    %swap3A_130 = vector.shape_cast %swap3A_129 : vector<16xi32> to vector<16xi32>
    %swap3A_131 = vector.shape_cast %add3A_127 : vector<16xi32> to vector<16xi32>
    tpu.vector_store %arg7[%swap3A_128], %swap3A_131 {strides = array<i32>} : memref<128xi32, #tpu.memory_space<vmem>>, vector<16xi32>,
    %get3A_132 = arith.constant 96 : index
    %get3A_133 = tpu.vector_load %arg6[%get3A_132] {strides = array<i32>} : memref<128xi32, #tpu.memory_space<vmem>>, vector<16xi32>,
    %get3A_134 = vector.shape_cast %get3A_133 : vector<16xi32> to vector<16xi32>
    %add3A_135 = arith.constant 96 : i32
    %add3A_136 = arith.addi %mul3A_2, %add3A_135 : i32
    %mul3A_137 = arith.constant 16 : i32
    %mul3A_138 = arith.muli %add3A_136, %mul3A_137 : i32
    %mul3A_139 = arith.constant 16 : i32
    %mul3A_140 = vector.broadcast %mul3A_139 : i32 to vector<16xi32>
    %mul3A_141 = arith.muli %iota3A, %mul3A_140 : vector<16xi32>
    %add3A_142 = vector.broadcast %mul3A_138 : i32 to vector<16xi32>
    %add3A_143 = arith.addi %add3A_142, %mul3A_141 : vector<16xi32>
    %add3A_144 = arith.addi %add3A_143, %get3A_134 : vector<16xi32>
    %swap3A_145 = arith.constant 96 : index
    %swap3A_146 = tpu.vector_load %arg7[%swap3A_145] {strides = array<i32>} : memref<128xi32, #tpu.memory_space<vmem>>, vector<16xi32>,
    %swap3A_147 = vector.shape_cast %swap3A_146 : vector<16xi32> to vector<16xi32>
    %swap3A_148 = vector.shape_cast %add3A_144 : vector<16xi32> to vector<16xi32>
    tpu.vector_store %arg7[%swap3A_145], %swap3A_148 {strides = array<i32>} : memref<128xi32, #tpu.memory_space<vmem>>, vector<16xi32>,
    %get3A_149 = arith.constant 112 : index
    %get3A_150 = tpu.vector_load %arg6[%get3A_149] {strides = array<i32>} : memref<128xi32, #tpu.memory_space<vmem>>, vector<16xi32>,
    %get3A_151 = vector.shape_cast %get3A_150 : vector<16xi32> to vector<16xi32>
    %add3A_152 = arith.constant 112 : i32
    %add3A_153 = arith.addi %mul3A_2, %add3A_152 : i32
    %mul3A_154 = arith.constant 16 : i32
    %mul3A_155 = arith.muli %add3A_153, %mul3A_154 : i32
    %mul3A_156 = arith.constant 16 : i32
    %mul3A_157 = vector.broadcast %mul3A_156 : i32 to vector<16xi32>
    %mul3A_158 = arith.muli %iota3A, %mul3A_157 : vector<16xi32>
    %add3A_159 = vector.broadcast %mul3A_155 : i32 to vector<16xi32>
    %add3A_160 = arith.addi %add3A_159, %mul3A_158 : vector<16xi32>
    %add3A_161 = arith.addi %add3A_160, %get3A_151 : vector<16xi32>
    %swap3A_162 = arith.constant 112 : index
    %swap3A_163 = tpu.vector_load %arg7[%swap3A_162] {strides = array<i32>} : memref<128xi32, #tpu.memory_space<vmem>>, vector<16xi32>,
    %swap3A_164 = vector.shape_cast %swap3A_163 : vector<16xi32> to vector<16xi32>
    %swap3A_165 = vector.shape_cast %add3A_161 : vector<16xi32> to vector<16xi32>
    tpu.vector_store %arg7[%swap3A_162], %swap3A_165 {strides = array<i32>} : memref<128xi32, #tpu.memory_space<vmem>>, vector<16xi32>,
    %dma_start3A_166 = arith.constant 0 : i32
    %dma_start3A_167 = arith.constant 0 : i32
    %dma_start3A_168 = arith.constant 0 : i32
    %dma_start3A_169 = tpu.memref_slice %arg8[%dma_start3A_166, %dma_start3A_167, %dma_start3A_168] : memref<2x16x1024xf32, #tpu.memory_space<vmem>> -> memref<1x16x1024xf32, #tpu.memory_space<vmem>>
    %dma_start3A_170 = tpu.memref_squeeze %dma_start3A_169 : memref<1x16x1024xf32, #tpu.memory_space<vmem>> -> memref<16x1024xf32, #tpu.memory_space<vmem>>
    %dma_start3A_171 = arith.constant 0 : i32
    %dma_start3A_172 = tpu.memref_slice %arg7[%dma_start3A_171] : memref<128xi32, #tpu.memory_space<vmem>> -> memref<16xi32, #tpu.memory_space<vmem>>
    %dma_start3A_173 = arith.constant 0 : i32
    %dma_start3A_174 = arith.constant 0 : i32
    %dma_start3A_175 = tpu.memref_slice %arg3[%dma_start3A_173, %dma_start3A_174] : memref<65536x1024xf32, #tpu.memory_space<hbm>> -> memref<65536x1024xf32, #tpu.memory_space<hbm>>
    tpu.enqueue_indirect_dma source(%dma_start3A_175 : memref<65536x1024xf32, #tpu.memory_space<hbm>>) target(%dma_start3A_170 : memref<16x1024xf32, #tpu.memory_space<vmem>>) offsets(%dma_start3A_172 : memref<16xi32, #tpu.memory_space<vmem>>) semaphore(%arg11 : memref<!tpu.dma_semaphore, #tpu.memory_space<semaphore_mem>>)
    %dma_start3A_176 = arith.constant 1 : i32
    %dma_start3A_177 = arith.constant 0 : i32
    %dma_start3A_178 = arith.constant 0 : i32
    %dma_start3A_179 = tpu.memref_slice %arg8[%dma_start3A_176, %dma_start3A_177, %dma_start3A_178] : memref<2x16x1024xf32, #tpu.memory_space<vmem>> -> memref<1x16x1024xf32, #tpu.memory_space<vmem>>
    %dma_start3A_180 = tpu.memref_squeeze %dma_start3A_179 : memref<1x16x1024xf32, #tpu.memory_space<vmem>> -> memref<16x1024xf32, #tpu.memory_space<vmem>>
    %dma_start3A_181 = arith.constant 16 : i32
    %dma_start3A_182 = tpu.memref_slice %arg7[%dma_start3A_181] : memref<128xi32, #tpu.memory_space<vmem>> -> memref<16xi32, #tpu.memory_space<vmem>>
    %dma_start3A_183 = arith.constant 0 : i32
    %dma_start3A_184 = arith.constant 0 : i32
    %dma_start3A_185 = tpu.memref_slice %arg3[%dma_start3A_183, %dma_start3A_184] : memref<65536x1024xf32, #tpu.memory_space<hbm>> -> memref<65536x1024xf32, #tpu.memory_space<hbm>>
    tpu.enqueue_indirect_dma source(%dma_start3A_185 : memref<65536x1024xf32, #tpu.memory_space<hbm>>) target(%dma_start3A_180 : memref<16x1024xf32, #tpu.memory_space<vmem>>) offsets(%dma_start3A_182 : memref<16xi32, #tpu.memory_space<vmem>>) semaphore(%arg12 : memref<!tpu.dma_semaphore, #tpu.memory_space<semaphore_mem>>)
    %broadcast_in_dim3A = arith.constant 0.000000e+00 : f32
    %broadcast_in_dim3A_186 = vector.broadcast %broadcast_in_dim3A : f32 to vector<16xf32>
    %scan3A = arith.constant 0 : i32
    %scan3A_187 = arith.constant 4 : i32
    %scan3A_188 = arith.addi %scan3A, %scan3A_187 : i32
    %scan3A_189 = arith.constant 1 : i32
    %scan3A_190 = scf.for %scan3A_196 = %scan3A to %scan3A_188 step %scan3A_189 iter_args(%scan3A_197 = %broadcast_in_dim3A_186) -> (vector<16xf32>)  : i32 {
      %mul3A_198 = arith.constant 2 : i32
      %mul3A_199 = arith.muli %mul3A_198, %scan3A_196 : i32
      %mul3A_200 = arith.constant 16 : i32
      %mul3A_201 = arith.muli %mul3A_199, %mul3A_200 : i32
      %dma_wait3A = arith.constant 0 : i32
      %dma_wait3A_202 = arith.constant 0 : i32
      %dma_wait3A_203 = arith.constant 0 : i32
      %dma_wait3A_204 = tpu.memref_slice %arg8[%dma_wait3A, %dma_wait3A_202, %dma_wait3A_203] : memref<2x16x1024xf32, #tpu.memory_space<vmem>> -> memref<1x16x1024xf32, #tpu.memory_space<vmem>>
      %dma_wait3A_205 = tpu.memref_squeeze %dma_wait3A_204 : memref<1x16x1024xf32, #tpu.memory_space<vmem>> -> memref<16x1024xf32, #tpu.memory_space<vmem>>
      %dma_wait3A_206 = tpu.memref_slice %arg7[%mul3A_201] : memref<128xi32, #tpu.memory_space<vmem>> -> memref<16xi32, #tpu.memory_space<vmem>>
      %dma_wait3A_207 = arith.constant 0 : i32
      %dma_wait3A_208 = arith.constant 0 : i32
      %dma_wait3A_209 = tpu.memref_slice %arg3[%dma_wait3A_207, %dma_wait3A_208] : memref<65536x1024xf32, #tpu.memory_space<hbm>> -> memref<65536x1024xf32, #tpu.memory_space<hbm>>
      tpu.wait_indirect_dma semaphore(%arg11 : memref<!tpu.dma_semaphore, #tpu.memory_space<semaphore_mem>>) src(%dma_wait3A_209 : memref<65536x1024xf32, #tpu.memory_space<hbm>>) dst(%dma_wait3A_205 : memref<16x1024xf32, #tpu.memory_space<vmem>>)
      %mul3A_210 = arith.constant 16 : i32
      %mul3A_211 = arith.muli %mul3A_199, %mul3A_210 : i32
      %add3A_212 = arith.addi %mul3A_2, %mul3A_211 : i32
      %dma_wait3A_213 = arith.constant 0 : i32
      %dma_wait3A_214 = arith.constant 0 : i32
      %dma_wait3A_215 = arith.constant 0 : i32
      %dma_wait3A_216 = tpu.memref_slice %arg9[%dma_wait3A_213, %dma_wait3A_214, %dma_wait3A_215] : memref<2x16x1024xf32, #tpu.memory_space<vmem>> -> memref<1x16x1024xf32, #tpu.memory_space<vmem>>
      %dma_wait3A_217 = tpu.memref_squeeze %dma_wait3A_216 : memref<1x16x1024xf32, #tpu.memory_space<vmem>> -> memref<16x1024xf32, #tpu.memory_space<vmem>>
      %dma_wait3A_218 = arith.constant 0 : i32
      %dma_wait3A_219 = tpu.memref_slice %arg2[%add3A_212, %dma_wait3A_218] : memref<4096x1024xf32, #tpu.memory_space<hbm>> -> memref<16x1024xf32, #tpu.memory_space<hbm>>
      %dma_wait3A_220 = arith.constant 0 : i32
      %dma_wait3A_221 = arith.constant 0 : i32
      %dma_wait3A_222 = tpu.memref_slice %arg9[%dma_wait3A_213, %dma_wait3A_220, %dma_wait3A_221] : memref<2x16x1024xf32, #tpu.memory_space<vmem>> -> memref<1x16x1024xf32, #tpu.memory_space<vmem>>
      %dma_wait3A_223 = tpu.memref_squeeze %dma_wait3A_222 : memref<1x16x1024xf32, #tpu.memory_space<vmem>> -> memref<16x1024xf32, #tpu.memory_space<vmem>>
      %dma_wait3A_224 = arith.constant 0 : i32
      %dma_wait3A_225 = tpu.memref_slice %arg2[%add3A_212, %dma_wait3A_224] : memref<4096x1024xf32, #tpu.memory_space<hbm>> -> memref<16x1024xf32, #tpu.memory_space<hbm>>
      tpu.wait_dma2 semaphore(%arg13 : memref<!tpu.dma_semaphore, #tpu.memory_space<semaphore_mem>>) src(%dma_wait3A_225 : memref<16x1024xf32, #tpu.memory_space<hbm>>) dst(%dma_wait3A_223 : memref<16x1024xf32, #tpu.memory_space<vmem>>)
      %scan3A_226 = arith.constant 0 : i32
      %scan3A_227 = arith.constant 64 : i32
      %scan3A_228 = arith.addi %scan3A_226, %scan3A_227 : i32
      %scan3A_229 = arith.constant 1 : i32
      %scan3A_230 = scf.for %scan3A_278 = %scan3A_226 to %scan3A_228 step %scan3A_229 iter_args(%scan3A_279 = %scan3A_197) -> (vector<16xf32>)  : i32 {
        %shift_right_logical3A = arith.constant 2 : i32
        %shift_right_logical3A_280 = arith.shrui %scan3A_278, %shift_right_logical3A : i32
        %and3A = arith.constant 3 : i32
        %and3A_281 = arith.andi %scan3A_278, %and3A : i32
        %mul3A_282 = arith.constant 256 : i32
        %mul3A_283 = arith.muli %and3A_281, %mul3A_282 : i32
        %add3A_284 = arith.constant 0 : i32
        %add3A_285 = arith.addi %mul3A_283, %add3A_284 : i32
        %get3A_286 = arith.constant 0 : i32
        %get3A_287 = arith.index_cast %get3A_286 : i32 to index
        %get3A_288 = arith.index_cast %shift_right_logical3A_280 : i32 to index
        %get3A_289 = arith.index_cast %add3A_285 : i32 to index
        %get3A_290 = tpu.vector_load %arg8[%get3A_287, %get3A_288, %get3A_289] {strides = array<i32>} : memref<2x16x1024xf32, #tpu.memory_space<vmem>>, vector<1x1x16xf32>,
        %get3A_291 = vector.shape_cast %get3A_290 : vector<1x1x16xf32> to vector<16xf32>
        %add3A_292 = arith.constant 0 : i32
        %add3A_293 = arith.addi %mul3A_283, %add3A_292 : i32
        %get3A_294 = arith.constant 0 : i32
        %get3A_295 = arith.index_cast %get3A_294 : i32 to index
        %get3A_296 = arith.index_cast %shift_right_logical3A_280 : i32 to index
        %get3A_297 = arith.index_cast %add3A_293 : i32 to index
        %get3A_298 = tpu.vector_load %arg9[%get3A_295, %get3A_296, %get3A_297] {strides = array<i32>} : memref<2x16x1024xf32, #tpu.memory_space<vmem>>, vector<1x1x16xf32>,
        %get3A_299 = vector.shape_cast %get3A_298 : vector<1x1x16xf32> to vector<16xf32>
        %sub3A = arith.subf %get3A_291, %get3A_299 : vector<16xf32>
        %mul3A_300 = arith.mulf %sub3A, %sub3A : vector<16xf32>
        %add3A_301 = arith.addf %scan3A_279, %mul3A_300 : vector<16xf32>
        %add3A_302 = arith.constant 16 : i32
        %add3A_303 = arith.addi %mul3A_283, %add3A_302 : i32
        %get3A_304 = arith.constant 0 : i32
        %get3A_305 = arith.index_cast %get3A_304 : i32 to index
        %get3A_306 = arith.index_cast %shift_right_logical3A_280 : i32 to index
        %get3A_307 = arith.index_cast %add3A_303 : i32 to index
        %get3A_308 = tpu.vector_load %arg8[%get3A_305, %get3A_306, %get3A_307] {strides = array<i32>} : memref<2x16x1024xf32, #tpu.memory_space<vmem>>, vector<1x1x16xf32>,
        %get3A_309 = vector.shape_cast %get3A_308 : vector<1x1x16xf32> to vector<16xf32>
        %add3A_310 = arith.constant 16 : i32
        %add3A_311 = arith.addi %mul3A_283, %add3A_310 : i32
        %get3A_312 = arith.constant 0 : i32
        %get3A_313 = arith.index_cast %get3A_312 : i32 to index
        %get3A_314 = arith.index_cast %shift_right_logical3A_280 : i32 to index
        %get3A_315 = arith.index_cast %add3A_311 : i32 to index
        %get3A_316 = tpu.vector_load %arg9[%get3A_313, %get3A_314, %get3A_315] {strides = array<i32>} : memref<2x16x1024xf32, #tpu.memory_space<vmem>>, vector<1x1x16xf32>,
        %get3A_317 = vector.shape_cast %get3A_316 : vector<1x1x16xf32> to vector<16xf32>
        %sub3A_318 = arith.subf %get3A_309, %get3A_317 : vector<16xf32>
        %mul3A_319 = arith.mulf %sub3A_318, %sub3A_318 : vector<16xf32>
        %add3A_320 = arith.addf %add3A_301, %mul3A_319 : vector<16xf32>
        %add3A_321 = arith.constant 32 : i32
        %add3A_322 = arith.addi %mul3A_283, %add3A_321 : i32
        %get3A_323 = arith.constant 0 : i32
        %get3A_324 = arith.index_cast %get3A_323 : i32 to index
        %get3A_325 = arith.index_cast %shift_right_logical3A_280 : i32 to index
        %get3A_326 = arith.index_cast %add3A_322 : i32 to index
        %get3A_327 = tpu.vector_load %arg8[%get3A_324, %get3A_325, %get3A_326] {strides = array<i32>} : memref<2x16x1024xf32, #tpu.memory_space<vmem>>, vector<1x1x16xf32>,
        %get3A_328 = vector.shape_cast %get3A_327 : vector<1x1x16xf32> to vector<16xf32>
        %add3A_329 = arith.constant 32 : i32
        %add3A_330 = arith.addi %mul3A_283, %add3A_329 : i32
        %get3A_331 = arith.constant 0 : i32
        %get3A_332 = arith.index_cast %get3A_331 : i32 to index
        %get3A_333 = arith.index_cast %shift_right_logical3A_280 : i32 to index
        %get3A_334 = arith.index_cast %add3A_330 : i32 to index
        %get3A_335 = tpu.vector_load %arg9[%get3A_332, %get3A_333, %get3A_334] {strides = array<i32>} : memref<2x16x1024xf32, #tpu.memory_space<vmem>>, vector<1x1x16xf32>,
        %get3A_336 = vector.shape_cast %get3A_335 : vector<1x1x16xf32> to vector<16xf32>
        %sub3A_337 = arith.subf %get3A_328, %get3A_336 : vector<16xf32>
        %mul3A_338 = arith.mulf %sub3A_337, %sub3A_337 : vector<16xf32>
        %add3A_339 = arith.addf %add3A_320, %mul3A_338 : vector<16xf32>
        %add3A_340 = arith.constant 48 : i32
        %add3A_341 = arith.addi %mul3A_283, %add3A_340 : i32
        %get3A_342 = arith.constant 0 : i32
        %get3A_343 = arith.index_cast %get3A_342 : i32 to index
        %get3A_344 = arith.index_cast %shift_right_logical3A_280 : i32 to index
        %get3A_345 = arith.index_cast %add3A_341 : i32 to index
        %get3A_346 = tpu.vector_load %arg8[%get3A_343, %get3A_344, %get3A_345] {strides = array<i32>} : memref<2x16x1024xf32, #tpu.memory_space<vmem>>, vector<1x1x16xf32>,
        %get3A_347 = vector.shape_cast %get3A_346 : vector<1x1x16xf32> to vector<16xf32>
        %add3A_348 = arith.constant 48 : i32
        %add3A_349 = arith.addi %mul3A_283, %add3A_348 : i32
        %get3A_350 = arith.constant 0 : i32
        %get3A_351 = arith.index_cast %get3A_350 : i32 to index
        %get3A_352 = arith.index_cast %shift_right_logical3A_280 : i32 to index
        %get3A_353 = arith.index_cast %add3A_349 : i32 to index
        %get3A_354 = tpu.vector_load %arg9[%get3A_351, %get3A_352, %get3A_353] {strides = array<i32>} : memref<2x16x1024xf32, #tpu.memory_space<vmem>>, vector<1x1x16xf32>,
        %get3A_355 = vector.shape_cast %get3A_354 : vector<1x1x16xf32> to vector<16xf32>
        %sub3A_356 = arith.subf %get3A_347, %get3A_355 : vector<16xf32>
        %mul3A_357 = arith.mulf %sub3A_356, %sub3A_356 : vector<16xf32>
        %add3A_358 = arith.addf %add3A_339, %mul3A_357 : vector<16xf32>
        %add3A_359 = arith.constant 64 : i32
        %add3A_360 = arith.addi %mul3A_283, %add3A_359 : i32
        %get3A_361 = arith.constant 0 : i32
        %get3A_362 = arith.index_cast %get3A_361 : i32 to index
        %get3A_363 = arith.index_cast %shift_right_logical3A_280 : i32 to index
        %get3A_364 = arith.index_cast %add3A_360 : i32 to index
        %get3A_365 = tpu.vector_load %arg8[%get3A_362, %get3A_363, %get3A_364] {strides = array<i32>} : memref<2x16x1024xf32, #tpu.memory_space<vmem>>, vector<1x1x16xf32>,
        %get3A_366 = vector.shape_cast %get3A_365 : vector<1x1x16xf32> to vector<16xf32>
        %add3A_367 = arith.constant 64 : i32
        %add3A_368 = arith.addi %mul3A_283, %add3A_367 : i32
        %get3A_369 = arith.constant 0 : i32
        %get3A_370 = arith.index_cast %get3A_369 : i32 to index
        %get3A_371 = arith.index_cast %shift_right_logical3A_280 : i32 to index
        %get3A_372 = arith.index_cast %add3A_368 : i32 to index
        %get3A_373 = tpu.vector_load %arg9[%get3A_370, %get3A_371, %get3A_372] {strides = array<i32>} : memref<2x16x1024xf32, #tpu.memory_space<vmem>>, vector<1x1x16xf32>,
        %get3A_374 = vector.shape_cast %get3A_373 : vector<1x1x16xf32> to vector<16xf32>
        %sub3A_375 = arith.subf %get3A_366, %get3A_374 : vector<16xf32>
        %mul3A_376 = arith.mulf %sub3A_375, %sub3A_375 : vector<16xf32>
        %add3A_377 = arith.addf %add3A_358, %mul3A_376 : vector<16xf32>
        %add3A_378 = arith.constant 80 : i32
        %add3A_379 = arith.addi %mul3A_283, %add3A_378 : i32
        %get3A_380 = arith.constant 0 : i32
        %get3A_381 = arith.index_cast %get3A_380 : i32 to index
        %get3A_382 = arith.index_cast %shift_right_logical3A_280 : i32 to index
        %get3A_383 = arith.index_cast %add3A_379 : i32 to index
        %get3A_384 = tpu.vector_load %arg8[%get3A_381, %get3A_382, %get3A_383] {strides = array<i32>} : memref<2x16x1024xf32, #tpu.memory_space<vmem>>, vector<1x1x16xf32>,
        %get3A_385 = vector.shape_cast %get3A_384 : vector<1x1x16xf32> to vector<16xf32>
        %add3A_386 = arith.constant 80 : i32
        %add3A_387 = arith.addi %mul3A_283, %add3A_386 : i32
        %get3A_388 = arith.constant 0 : i32
        %get3A_389 = arith.index_cast %get3A_388 : i32 to index
        %get3A_390 = arith.index_cast %shift_right_logical3A_280 : i32 to index
        %get3A_391 = arith.index_cast %add3A_387 : i32 to index
        %get3A_392 = tpu.vector_load %arg9[%get3A_389, %get3A_390, %get3A_391] {strides = array<i32>} : memref<2x16x1024xf32, #tpu.memory_space<vmem>>, vector<1x1x16xf32>,
        %get3A_393 = vector.shape_cast %get3A_392 : vector<1x1x16xf32> to vector<16xf32>
        %sub3A_394 = arith.subf %get3A_385, %get3A_393 : vector<16xf32>
        %mul3A_395 = arith.mulf %sub3A_394, %sub3A_394 : vector<16xf32>
        %add3A_396 = arith.addf %add3A_377, %mul3A_395 : vector<16xf32>
        %add3A_397 = arith.constant 96 : i32
        %add3A_398 = arith.addi %mul3A_283, %add3A_397 : i32
        %get3A_399 = arith.constant 0 : i32
        %get3A_400 = arith.index_cast %get3A_399 : i32 to index
        %get3A_401 = arith.index_cast %shift_right_logical3A_280 : i32 to index
        %get3A_402 = arith.index_cast %add3A_398 : i32 to index
        %get3A_403 = tpu.vector_load %arg8[%get3A_400, %get3A_401, %get3A_402] {strides = array<i32>} : memref<2x16x1024xf32, #tpu.memory_space<vmem>>, vector<1x1x16xf32>,
        %get3A_404 = vector.shape_cast %get3A_403 : vector<1x1x16xf32> to vector<16xf32>
        %add3A_405 = arith.constant 96 : i32
        %add3A_406 = arith.addi %mul3A_283, %add3A_405 : i32
        %get3A_407 = arith.constant 0 : i32
        %get3A_408 = arith.index_cast %get3A_407 : i32 to index
        %get3A_409 = arith.index_cast %shift_right_logical3A_280 : i32 to index
        %get3A_410 = arith.index_cast %add3A_406 : i32 to index
        %get3A_411 = tpu.vector_load %arg9[%get3A_408, %get3A_409, %get3A_410] {strides = array<i32>} : memref<2x16x1024xf32, #tpu.memory_space<vmem>>, vector<1x1x16xf32>,
        %get3A_412 = vector.shape_cast %get3A_411 : vector<1x1x16xf32> to vector<16xf32>
        %sub3A_413 = arith.subf %get3A_404, %get3A_412 : vector<16xf32>
        %mul3A_414 = arith.mulf %sub3A_413, %sub3A_413 : vector<16xf32>
        %add3A_415 = arith.addf %add3A_396, %mul3A_414 : vector<16xf32>
        %add3A_416 = arith.constant 112 : i32
        %add3A_417 = arith.addi %mul3A_283, %add3A_416 : i32
        %get3A_418 = arith.constant 0 : i32
        %get3A_419 = arith.index_cast %get3A_418 : i32 to index
        %get3A_420 = arith.index_cast %shift_right_logical3A_280 : i32 to index
        %get3A_421 = arith.index_cast %add3A_417 : i32 to index
        %get3A_422 = tpu.vector_load %arg8[%get3A_419, %get3A_420, %get3A_421] {strides = array<i32>} : memref<2x16x1024xf32, #tpu.memory_space<vmem>>, vector<1x1x16xf32>,
        %get3A_423 = vector.shape_cast %get3A_422 : vector<1x1x16xf32> to vector<16xf32>
        %add3A_424 = arith.constant 112 : i32
        %add3A_425 = arith.addi %mul3A_283, %add3A_424 : i32
        %get3A_426 = arith.constant 0 : i32
        %get3A_427 = arith.index_cast %get3A_426 : i32 to index
        %get3A_428 = arith.index_cast %shift_right_logical3A_280 : i32 to index
        %get3A_429 = arith.index_cast %add3A_425 : i32 to index
        %get3A_430 = tpu.vector_load %arg9[%get3A_427, %get3A_428, %get3A_429] {strides = array<i32>} : memref<2x16x1024xf32, #tpu.memory_space<vmem>>, vector<1x1x16xf32>,
        %get3A_431 = vector.shape_cast %get3A_430 : vector<1x1x16xf32> to vector<16xf32>
        %sub3A_432 = arith.subf %get3A_423, %get3A_431 : vector<16xf32>
        %mul3A_433 = arith.mulf %sub3A_432, %sub3A_432 : vector<16xf32>
        %add3A_434 = arith.addf %add3A_415, %mul3A_433 : vector<16xf32>
        %add3A_435 = arith.constant 128 : i32
        %add3A_436 = arith.addi %mul3A_283, %add3A_435 : i32
        %get3A_437 = arith.constant 0 : i32
        %get3A_438 = arith.index_cast %get3A_437 : i32 to index
        %get3A_439 = arith.index_cast %shift_right_logical3A_280 : i32 to index
        %get3A_440 = arith.index_cast %add3A_436 : i32 to index
        %get3A_441 = tpu.vector_load %arg8[%get3A_438, %get3A_439, %get3A_440] {strides = array<i32>} : memref<2x16x1024xf32, #tpu.memory_space<vmem>>, vector<1x1x16xf32>,
        %get3A_442 = vector.shape_cast %get3A_441 : vector<1x1x16xf32> to vector<16xf32>
        %add3A_443 = arith.constant 128 : i32
        %add3A_444 = arith.addi %mul3A_283, %add3A_443 : i32
        %get3A_445 = arith.constant 0 : i32
        %get3A_446 = arith.index_cast %get3A_445 : i32 to index
        %get3A_447 = arith.index_cast %shift_right_logical3A_280 : i32 to index
        %get3A_448 = arith.index_cast %add3A_444 : i32 to index
        %get3A_449 = tpu.vector_load %arg9[%get3A_446, %get3A_447, %get3A_448] {strides = array<i32>} : memref<2x16x1024xf32, #tpu.memory_space<vmem>>, vector<1x1x16xf32>,
        %get3A_450 = vector.shape_cast %get3A_449 : vector<1x1x16xf32> to vector<16xf32>
        %sub3A_451 = arith.subf %get3A_442, %get3A_450 : vector<16xf32>
        %mul3A_452 = arith.mulf %sub3A_451, %sub3A_451 : vector<16xf32>
        %add3A_453 = arith.addf %add3A_434, %mul3A_452 : vector<16xf32>
        %add3A_454 = arith.constant 144 : i32
        %add3A_455 = arith.addi %mul3A_283, %add3A_454 : i32
        %get3A_456 = arith.constant 0 : i32
        %get3A_457 = arith.index_cast %get3A_456 : i32 to index
        %get3A_458 = arith.index_cast %shift_right_logical3A_280 : i32 to index
        %get3A_459 = arith.index_cast %add3A_455 : i32 to index
        %get3A_460 = tpu.vector_load %arg8[%get3A_457, %get3A_458, %get3A_459] {strides = array<i32>} : memref<2x16x1024xf32, #tpu.memory_space<vmem>>, vector<1x1x16xf32>,
        %get3A_461 = vector.shape_cast %get3A_460 : vector<1x1x16xf32> to vector<16xf32>
        %add3A_462 = arith.constant 144 : i32
        %add3A_463 = arith.addi %mul3A_283, %add3A_462 : i32
        %get3A_464 = arith.constant 0 : i32
        %get3A_465 = arith.index_cast %get3A_464 : i32 to index
        %get3A_466 = arith.index_cast %shift_right_logical3A_280 : i32 to index
        %get3A_467 = arith.index_cast %add3A_463 : i32 to index
        %get3A_468 = tpu.vector_load %arg9[%get3A_465, %get3A_466, %get3A_467] {strides = array<i32>} : memref<2x16x1024xf32, #tpu.memory_space<vmem>>, vector<1x1x16xf32>,
        %get3A_469 = vector.shape_cast %get3A_468 : vector<1x1x16xf32> to vector<16xf32>
        %sub3A_470 = arith.subf %get3A_461, %get3A_469 : vector<16xf32>
        %mul3A_471 = arith.mulf %sub3A_470, %sub3A_470 : vector<16xf32>
        %add3A_472 = arith.addf %add3A_453, %mul3A_471 : vector<16xf32>
        %add3A_473 = arith.constant 160 : i32
        %add3A_474 = arith.addi %mul3A_283, %add3A_473 : i32
        %get3A_475 = arith.constant 0 : i32
        %get3A_476 = arith.index_cast %get3A_475 : i32 to index
        %get3A_477 = arith.index_cast %shift_right_logical3A_280 : i32 to index
        %get3A_478 = arith.index_cast %add3A_474 : i32 to index
        %get3A_479 = tpu.vector_load %arg8[%get3A_476, %get3A_477, %get3A_478] {strides = array<i32>} : memref<2x16x1024xf32, #tpu.memory_space<vmem>>, vector<1x1x16xf32>,
        %get3A_480 = vector.shape_cast %get3A_479 : vector<1x1x16xf32> to vector<16xf32>
        %add3A_481 = arith.constant 160 : i32
        %add3A_482 = arith.addi %mul3A_283, %add3A_481 : i32
        %get3A_483 = arith.constant 0 : i32
        %get3A_484 = arith.index_cast %get3A_483 : i32 to index
        %get3A_485 = arith.index_cast %shift_right_logical3A_280 : i32 to index
        %get3A_486 = arith.index_cast %add3A_482 : i32 to index
        %get3A_487 = tpu.vector_load %arg9[%get3A_484, %get3A_485, %get3A_486] {strides = array<i32>} : memref<2x16x1024xf32, #tpu.memory_space<vmem>>, vector<1x1x16xf32>,
        %get3A_488 = vector.shape_cast %get3A_487 : vector<1x1x16xf32> to vector<16xf32>
        %sub3A_489 = arith.subf %get3A_480, %get3A_488 : vector<16xf32>
        %mul3A_490 = arith.mulf %sub3A_489, %sub3A_489 : vector<16xf32>
        %add3A_491 = arith.addf %add3A_472, %mul3A_490 : vector<16xf32>
        %add3A_492 = arith.constant 176 : i32
        %add3A_493 = arith.addi %mul3A_283, %add3A_492 : i32
        %get3A_494 = arith.constant 0 : i32
        %get3A_495 = arith.index_cast %get3A_494 : i32 to index
        %get3A_496 = arith.index_cast %shift_right_logical3A_280 : i32 to index
        %get3A_497 = arith.index_cast %add3A_493 : i32 to index
        %get3A_498 = tpu.vector_load %arg8[%get3A_495, %get3A_496, %get3A_497] {strides = array<i32>} : memref<2x16x1024xf32, #tpu.memory_space<vmem>>, vector<1x1x16xf32>,
        %get3A_499 = vector.shape_cast %get3A_498 : vector<1x1x16xf32> to vector<16xf32>
        %add3A_500 = arith.constant 176 : i32
        %add3A_501 = arith.addi %mul3A_283, %add3A_500 : i32
        %get3A_502 = arith.constant 0 : i32
        %get3A_503 = arith.index_cast %get3A_502 : i32 to index
        %get3A_504 = arith.index_cast %shift_right_logical3A_280 : i32 to index
        %get3A_505 = arith.index_cast %add3A_501 : i32 to index
        %get3A_506 = tpu.vector_load %arg9[%get3A_503, %get3A_504, %get3A_505] {strides = array<i32>} : memref<2x16x1024xf32, #tpu.memory_space<vmem>>, vector<1x1x16xf32>,
        %get3A_507 = vector.shape_cast %get3A_506 : vector<1x1x16xf32> to vector<16xf32>
        %sub3A_508 = arith.subf %get3A_499, %get3A_507 : vector<16xf32>
        %mul3A_509 = arith.mulf %sub3A_508, %sub3A_508 : vector<16xf32>
        %add3A_510 = arith.addf %add3A_491, %mul3A_509 : vector<16xf32>
        %add3A_511 = arith.constant 192 : i32
        %add3A_512 = arith.addi %mul3A_283, %add3A_511 : i32
        %get3A_513 = arith.constant 0 : i32
        %get3A_514 = arith.index_cast %get3A_513 : i32 to index
        %get3A_515 = arith.index_cast %shift_right_logical3A_280 : i32 to index
        %get3A_516 = arith.index_cast %add3A_512 : i32 to index
        %get3A_517 = tpu.vector_load %arg8[%get3A_514, %get3A_515, %get3A_516] {strides = array<i32>} : memref<2x16x1024xf32, #tpu.memory_space<vmem>>, vector<1x1x16xf32>,
        %get3A_518 = vector.shape_cast %get3A_517 : vector<1x1x16xf32> to vector<16xf32>
        %add3A_519 = arith.constant 192 : i32
        %add3A_520 = arith.addi %mul3A_283, %add3A_519 : i32
        %get3A_521 = arith.constant 0 : i32
        %get3A_522 = arith.index_cast %get3A_521 : i32 to index
        %get3A_523 = arith.index_cast %shift_right_logical3A_280 : i32 to index
        %get3A_524 = arith.index_cast %add3A_520 : i32 to index
        %get3A_525 = tpu.vector_load %arg9[%get3A_522, %get3A_523, %get3A_524] {strides = array<i32>} : memref<2x16x1024xf32, #tpu.memory_space<vmem>>, vector<1x1x16xf32>,
        %get3A_526 = vector.shape_cast %get3A_525 : vector<1x1x16xf32> to vector<16xf32>
        %sub3A_527 = arith.subf %get3A_518, %get3A_526 : vector<16xf32>
        %mul3A_528 = arith.mulf %sub3A_527, %sub3A_527 : vector<16xf32>
        %add3A_529 = arith.addf %add3A_510, %mul3A_528 : vector<16xf32>
        %add3A_530 = arith.constant 208 : i32
        %add3A_531 = arith.addi %mul3A_283, %add3A_530 : i32
        %get3A_532 = arith.constant 0 : i32
        %get3A_533 = arith.index_cast %get3A_532 : i32 to index
        %get3A_534 = arith.index_cast %shift_right_logical3A_280 : i32 to index
        %get3A_535 = arith.index_cast %add3A_531 : i32 to index
        %get3A_536 = tpu.vector_load %arg8[%get3A_533, %get3A_534, %get3A_535] {strides = array<i32>} : memref<2x16x1024xf32, #tpu.memory_space<vmem>>, vector<1x1x16xf32>,
        %get3A_537 = vector.shape_cast %get3A_536 : vector<1x1x16xf32> to vector<16xf32>
        %add3A_538 = arith.constant 208 : i32
        %add3A_539 = arith.addi %mul3A_283, %add3A_538 : i32
        %get3A_540 = arith.constant 0 : i32
        %get3A_541 = arith.index_cast %get3A_540 : i32 to index
        %get3A_542 = arith.index_cast %shift_right_logical3A_280 : i32 to index
        %get3A_543 = arith.index_cast %add3A_539 : i32 to index
        %get3A_544 = tpu.vector_load %arg9[%get3A_541, %get3A_542, %get3A_543] {strides = array<i32>} : memref<2x16x1024xf32, #tpu.memory_space<vmem>>, vector<1x1x16xf32>,
        %get3A_545 = vector.shape_cast %get3A_544 : vector<1x1x16xf32> to vector<16xf32>
        %sub3A_546 = arith.subf %get3A_537, %get3A_545 : vector<16xf32>
        %mul3A_547 = arith.mulf %sub3A_546, %sub3A_546 : vector<16xf32>
        %add3A_548 = arith.addf %add3A_529, %mul3A_547 : vector<16xf32>
        %add3A_549 = arith.constant 224 : i32
        %add3A_550 = arith.addi %mul3A_283, %add3A_549 : i32
        %get3A_551 = arith.constant 0 : i32
        %get3A_552 = arith.index_cast %get3A_551 : i32 to index
        %get3A_553 = arith.index_cast %shift_right_logical3A_280 : i32 to index
        %get3A_554 = arith.index_cast %add3A_550 : i32 to index
        %get3A_555 = tpu.vector_load %arg8[%get3A_552, %get3A_553, %get3A_554] {strides = array<i32>} : memref<2x16x1024xf32, #tpu.memory_space<vmem>>, vector<1x1x16xf32>,
        %get3A_556 = vector.shape_cast %get3A_555 : vector<1x1x16xf32> to vector<16xf32>
        %add3A_557 = arith.constant 224 : i32
        %add3A_558 = arith.addi %mul3A_283, %add3A_557 : i32
        %get3A_559 = arith.constant 0 : i32
        %get3A_560 = arith.index_cast %get3A_559 : i32 to index
        %get3A_561 = arith.index_cast %shift_right_logical3A_280 : i32 to index
        %get3A_562 = arith.index_cast %add3A_558 : i32 to index
        %get3A_563 = tpu.vector_load %arg9[%get3A_560, %get3A_561, %get3A_562] {strides = array<i32>} : memref<2x16x1024xf32, #tpu.memory_space<vmem>>, vector<1x1x16xf32>,
        %get3A_564 = vector.shape_cast %get3A_563 : vector<1x1x16xf32> to vector<16xf32>
        %sub3A_565 = arith.subf %get3A_556, %get3A_564 : vector<16xf32>
        %mul3A_566 = arith.mulf %sub3A_565, %sub3A_565 : vector<16xf32>
        %add3A_567 = arith.addf %add3A_548, %mul3A_566 : vector<16xf32>
        %add3A_568 = arith.constant 240 : i32
        %add3A_569 = arith.addi %mul3A_283, %add3A_568 : i32
        %get3A_570 = arith.constant 0 : i32
        %get3A_571 = arith.index_cast %get3A_570 : i32 to index
        %get3A_572 = arith.index_cast %shift_right_logical3A_280 : i32 to index
        %get3A_573 = arith.index_cast %add3A_569 : i32 to index
        %get3A_574 = tpu.vector_load %arg8[%get3A_571, %get3A_572, %get3A_573] {strides = array<i32>} : memref<2x16x1024xf32, #tpu.memory_space<vmem>>, vector<1x1x16xf32>,
        %get3A_575 = vector.shape_cast %get3A_574 : vector<1x1x16xf32> to vector<16xf32>
        %add3A_576 = arith.constant 240 : i32
        %add3A_577 = arith.addi %mul3A_283, %add3A_576 : i32
        %get3A_578 = arith.constant 0 : i32
        %get3A_579 = arith.index_cast %get3A_578 : i32 to index
        %get3A_580 = arith.index_cast %shift_right_logical3A_280 : i32 to index
        %get3A_581 = arith.index_cast %add3A_577 : i32 to index
        %get3A_582 = tpu.vector_load %arg9[%get3A_579, %get3A_580, %get3A_581] {strides = array<i32>} : memref<2x16x1024xf32, #tpu.memory_space<vmem>>, vector<1x1x16xf32>,
        %get3A_583 = vector.shape_cast %get3A_582 : vector<1x1x16xf32> to vector<16xf32>
        %sub3A_584 = arith.subf %get3A_575, %get3A_583 : vector<16xf32>
        %mul3A_585 = arith.mulf %sub3A_584, %sub3A_584 : vector<16xf32>
        %add3A_586 = arith.addf %add3A_567, %mul3A_585 : vector<16xf32>
        scf.yield %add3A_586 : vector<16xf32>
      }
      %scan3A_231 = arith.constant 64 : i32
      %add3A_232 = arith.constant 1 : i32
      %add3A_233 = arith.addi %scan3A_196, %add3A_232 : i32
      %lt3A = arith.constant 4 : i32
      %lt3A_234 = arith.cmpi slt, %add3A_233, %lt3A : i32
      %convert_element_type3A = arith.extui %lt3A_234 : i1 to i32
      %cond3A = arith.constant 0 : i32
      %cond3A_235 = arith.cmpi ne, %convert_element_type3A, %cond3A : i32
      scf.if %cond3A_235 {
        %add3A_278 = arith.constant 2 : i32
        %add3A_279 = arith.addi %mul3A_199, %add3A_278 : i32
        %mul3A_280 = arith.constant 16 : i32
        %mul3A_281 = arith.muli %add3A_279, %mul3A_280 : i32
        %dma_start3A_282 = arith.constant 0 : i32
        %dma_start3A_283 = arith.constant 0 : i32
        %dma_start3A_284 = arith.constant 0 : i32
        %dma_start3A_285 = tpu.memref_slice %arg8[%dma_start3A_282, %dma_start3A_283, %dma_start3A_284] : memref<2x16x1024xf32, #tpu.memory_space<vmem>> -> memref<1x16x1024xf32, #tpu.memory_space<vmem>>
        %dma_start3A_286 = tpu.memref_squeeze %dma_start3A_285 : memref<1x16x1024xf32, #tpu.memory_space<vmem>> -> memref<16x1024xf32, #tpu.memory_space<vmem>>
        %dma_start3A_287 = tpu.memref_slice %arg7[%mul3A_281] : memref<128xi32, #tpu.memory_space<vmem>> -> memref<16xi32, #tpu.memory_space<vmem>>
        %dma_start3A_288 = arith.constant 0 : i32
        %dma_start3A_289 = arith.constant 0 : i32
        %dma_start3A_290 = tpu.memref_slice %arg3[%dma_start3A_288, %dma_start3A_289] : memref<65536x1024xf32, #tpu.memory_space<hbm>> -> memref<65536x1024xf32, #tpu.memory_space<hbm>>
        tpu.enqueue_indirect_dma source(%dma_start3A_290 : memref<65536x1024xf32, #tpu.memory_space<hbm>>) target(%dma_start3A_286 : memref<16x1024xf32, #tpu.memory_space<vmem>>) offsets(%dma_start3A_287 : memref<16xi32, #tpu.memory_space<vmem>>) semaphore(%arg11 : memref<!tpu.dma_semaphore, #tpu.memory_space<semaphore_mem>>)
        %mul3A_291 = arith.constant 16 : i32
        %mul3A_292 = arith.muli %add3A_279, %mul3A_291 : i32
        %add3A_293 = arith.addi %mul3A_2, %mul3A_292 : i32
        %dma_start3A_294 = arith.constant 0 : i32
        %dma_start3A_295 = arith.constant 0 : i32
        %dma_start3A_296 = arith.constant 0 : i32
        %dma_start3A_297 = tpu.memref_slice %arg9[%dma_start3A_294, %dma_start3A_295, %dma_start3A_296] : memref<2x16x1024xf32, #tpu.memory_space<vmem>> -> memref<1x16x1024xf32, #tpu.memory_space<vmem>>
        %dma_start3A_298 = tpu.memref_squeeze %dma_start3A_297 : memref<1x16x1024xf32, #tpu.memory_space<vmem>> -> memref<16x1024xf32, #tpu.memory_space<vmem>>
        %dma_start3A_299 = arith.constant 0 : i32
        %dma_start3A_300 = tpu.memref_slice %arg2[%add3A_293, %dma_start3A_299] : memref<4096x1024xf32, #tpu.memory_space<hbm>> -> memref<16x1024xf32, #tpu.memory_space<hbm>>
        %dma_start3A_301 = arith.constant 0 : i32
        %dma_start3A_302 = arith.constant 0 : i32
        %dma_start3A_303 = tpu.memref_slice %arg9[%dma_start3A_294, %dma_start3A_301, %dma_start3A_302] : memref<2x16x1024xf32, #tpu.memory_space<vmem>> -> memref<1x16x1024xf32, #tpu.memory_space<vmem>>
        %dma_start3A_304 = tpu.memref_squeeze %dma_start3A_303 : memref<1x16x1024xf32, #tpu.memory_space<vmem>> -> memref<16x1024xf32, #tpu.memory_space<vmem>>
        %dma_start3A_305 = arith.constant 0 : i32
        %dma_start3A_306 = tpu.memref_slice %arg2[%add3A_293, %dma_start3A_305] : memref<4096x1024xf32, #tpu.memory_space<hbm>> -> memref<16x1024xf32, #tpu.memory_space<hbm>>
        tpu.enqueue_dma source(%dma_start3A_306 : memref<16x1024xf32, #tpu.memory_space<hbm>>) target(%dma_start3A_304 : memref<16x1024xf32, #tpu.memory_space<vmem>>) target_semaphore(%arg13 : memref<!tpu.dma_semaphore, #tpu.memory_space<semaphore_mem>>)
      } else {
      }
      %add3A_236 = arith.constant 1 : i32
      %add3A_237 = arith.addi %mul3A_199, %add3A_236 : i32
      %mul3A_238 = arith.constant 16 : i32
      %mul3A_239 = arith.muli %add3A_237, %mul3A_238 : i32
      %dma_wait3A_240 = arith.constant 1 : i32
      %dma_wait3A_241 = arith.constant 0 : i32
      %dma_wait3A_242 = arith.constant 0 : i32
      %dma_wait3A_243 = tpu.memref_slice %arg8[%dma_wait3A_240, %dma_wait3A_241, %dma_wait3A_242] : memref<2x16x1024xf32, #tpu.memory_space<vmem>> -> memref<1x16x1024xf32, #tpu.memory_space<vmem>>
      %dma_wait3A_244 = tpu.memref_squeeze %dma_wait3A_243 : memref<1x16x1024xf32, #tpu.memory_space<vmem>> -> memref<16x1024xf32, #tpu.memory_space<vmem>>
      %dma_wait3A_245 = tpu.memref_slice %arg7[%mul3A_239] : memref<128xi32, #tpu.memory_space<vmem>> -> memref<16xi32, #tpu.memory_space<vmem>>
      %dma_wait3A_246 = arith.constant 0 : i32
      %dma_wait3A_247 = arith.constant 0 : i32
      %dma_wait3A_248 = tpu.memref_slice %arg3[%dma_wait3A_246, %dma_wait3A_247] : memref<65536x1024xf32, #tpu.memory_space<hbm>> -> memref<65536x1024xf32, #tpu.memory_space<hbm>>
      tpu.wait_indirect_dma semaphore(%arg12 : memref<!tpu.dma_semaphore, #tpu.memory_space<semaphore_mem>>) src(%dma_wait3A_248 : memref<65536x1024xf32, #tpu.memory_space<hbm>>) dst(%dma_wait3A_244 : memref<16x1024xf32, #tpu.memory_space<vmem>>)
      %mul3A_249 = arith.constant 16 : i32
      %mul3A_250 = arith.muli %add3A_237, %mul3A_249 : i32
      %add3A_251 = arith.addi %mul3A_2, %mul3A_250 : i32
      %dma_wait3A_252 = arith.constant 1 : i32
      %dma_wait3A_253 = arith.constant 0 : i32
      %dma_wait3A_254 = arith.constant 0 : i32
      %dma_wait3A_255 = tpu.memref_slice %arg9[%dma_wait3A_252, %dma_wait3A_253, %dma_wait3A_254] : memref<2x16x1024xf32, #tpu.memory_space<vmem>> -> memref<1x16x1024xf32, #tpu.memory_space<vmem>>
      %dma_wait3A_256 = tpu.memref_squeeze %dma_wait3A_255 : memref<1x16x1024xf32, #tpu.memory_space<vmem>> -> memref<16x1024xf32, #tpu.memory_space<vmem>>
      %dma_wait3A_257 = arith.constant 0 : i32
      %dma_wait3A_258 = tpu.memref_slice %arg2[%add3A_251, %dma_wait3A_257] : memref<4096x1024xf32, #tpu.memory_space<hbm>> -> memref<16x1024xf32, #tpu.memory_space<hbm>>
      %dma_wait3A_259 = arith.constant 0 : i32
      %dma_wait3A_260 = arith.constant 0 : i32
      %dma_wait3A_261 = tpu.memref_slice %arg9[%dma_wait3A_252, %dma_wait3A_259, %dma_wait3A_260] : memref<2x16x1024xf32, #tpu.memory_space<vmem>> -> memref<1x16x1024xf32, #tpu.memory_space<vmem>>
      %dma_wait3A_262 = tpu.memref_squeeze %dma_wait3A_261 : memref<1x16x1024xf32, #tpu.memory_space<vmem>> -> memref<16x1024xf32, #tpu.memory_space<vmem>>
      %dma_wait3A_263 = arith.constant 0 : i32
      %dma_wait3A_264 = tpu.memref_slice %arg2[%add3A_251, %dma_wait3A_263] : memref<4096x1024xf32, #tpu.memory_space<hbm>> -> memref<16x1024xf32, #tpu.memory_space<hbm>>
      tpu.wait_dma2 semaphore(%arg14 : memref<!tpu.dma_semaphore, #tpu.memory_space<semaphore_mem>>) src(%dma_wait3A_264 : memref<16x1024xf32, #tpu.memory_space<hbm>>) dst(%dma_wait3A_262 : memref<16x1024xf32, #tpu.memory_space<vmem>>)
      %scan3A_265 = arith.constant 0 : i32
      %scan3A_266 = arith.constant 64 : i32
      %scan3A_267 = arith.addi %scan3A_265, %scan3A_266 : i32
      %scan3A_268 = arith.constant 1 : i32
      %scan3A_269 = scf.for %scan3A_278 = %scan3A_265 to %scan3A_267 step %scan3A_268 iter_args(%scan3A_279 = %scan3A_230) -> (vector<16xf32>)  : i32 {
        %shift_right_logical3A = arith.constant 2 : i32
        %shift_right_logical3A_280 = arith.shrui %scan3A_278, %shift_right_logical3A : i32
        %and3A = arith.constant 3 : i32
        %and3A_281 = arith.andi %scan3A_278, %and3A : i32
        %mul3A_282 = arith.constant 256 : i32
        %mul3A_283 = arith.muli %and3A_281, %mul3A_282 : i32
        %add3A_284 = arith.constant 0 : i32
        %add3A_285 = arith.addi %mul3A_283, %add3A_284 : i32
        %get3A_286 = arith.constant 1 : i32
        %get3A_287 = arith.index_cast %get3A_286 : i32 to index
        %get3A_288 = arith.index_cast %shift_right_logical3A_280 : i32 to index
        %get3A_289 = arith.index_cast %add3A_285 : i32 to index
        %get3A_290 = tpu.vector_load %arg8[%get3A_287, %get3A_288, %get3A_289] {strides = array<i32>} : memref<2x16x1024xf32, #tpu.memory_space<vmem>>, vector<1x1x16xf32>,
        %get3A_291 = vector.shape_cast %get3A_290 : vector<1x1x16xf32> to vector<16xf32>
        %add3A_292 = arith.constant 0 : i32
        %add3A_293 = arith.addi %mul3A_283, %add3A_292 : i32
        %get3A_294 = arith.constant 1 : i32
        %get3A_295 = arith.index_cast %get3A_294 : i32 to index
        %get3A_296 = arith.index_cast %shift_right_logical3A_280 : i32 to index
        %get3A_297 = arith.index_cast %add3A_293 : i32 to index
        %get3A_298 = tpu.vector_load %arg9[%get3A_295, %get3A_296, %get3A_297] {strides = array<i32>} : memref<2x16x1024xf32, #tpu.memory_space<vmem>>, vector<1x1x16xf32>,
        %get3A_299 = vector.shape_cast %get3A_298 : vector<1x1x16xf32> to vector<16xf32>
        %sub3A = arith.subf %get3A_291, %get3A_299 : vector<16xf32>
        %mul3A_300 = arith.mulf %sub3A, %sub3A : vector<16xf32>
        %add3A_301 = arith.addf %scan3A_279, %mul3A_300 : vector<16xf32>
        %add3A_302 = arith.constant 16 : i32
        %add3A_303 = arith.addi %mul3A_283, %add3A_302 : i32
        %get3A_304 = arith.constant 1 : i32
        %get3A_305 = arith.index_cast %get3A_304 : i32 to index
        %get3A_306 = arith.index_cast %shift_right_logical3A_280 : i32 to index
        %get3A_307 = arith.index_cast %add3A_303 : i32 to index
        %get3A_308 = tpu.vector_load %arg8[%get3A_305, %get3A_306, %get3A_307] {strides = array<i32>} : memref<2x16x1024xf32, #tpu.memory_space<vmem>>, vector<1x1x16xf32>,
        %get3A_309 = vector.shape_cast %get3A_308 : vector<1x1x16xf32> to vector<16xf32>
        %add3A_310 = arith.constant 16 : i32
        %add3A_311 = arith.addi %mul3A_283, %add3A_310 : i32
        %get3A_312 = arith.constant 1 : i32
        %get3A_313 = arith.index_cast %get3A_312 : i32 to index
        %get3A_314 = arith.index_cast %shift_right_logical3A_280 : i32 to index
        %get3A_315 = arith.index_cast %add3A_311 : i32 to index
        %get3A_316 = tpu.vector_load %arg9[%get3A_313, %get3A_314, %get3A_315] {strides = array<i32>} : memref<2x16x1024xf32, #tpu.memory_space<vmem>>, vector<1x1x16xf32>,
        %get3A_317 = vector.shape_cast %get3A_316 : vector<1x1x16xf32> to vector<16xf32>
        %sub3A_318 = arith.subf %get3A_309, %get3A_317 : vector<16xf32>
        %mul3A_319 = arith.mulf %sub3A_318, %sub3A_318 : vector<16xf32>
        %add3A_320 = arith.addf %add3A_301, %mul3A_319 : vector<16xf32>
        %add3A_321 = arith.constant 32 : i32
        %add3A_322 = arith.addi %mul3A_283, %add3A_321 : i32
        %get3A_323 = arith.constant 1 : i32
        %get3A_324 = arith.index_cast %get3A_323 : i32 to index
        %get3A_325 = arith.index_cast %shift_right_logical3A_280 : i32 to index
        %get3A_326 = arith.index_cast %add3A_322 : i32 to index
        %get3A_327 = tpu.vector_load %arg8[%get3A_324, %get3A_325, %get3A_326] {strides = array<i32>} : memref<2x16x1024xf32, #tpu.memory_space<vmem>>, vector<1x1x16xf32>,
        %get3A_328 = vector.shape_cast %get3A_327 : vector<1x1x16xf32> to vector<16xf32>
        %add3A_329 = arith.constant 32 : i32
        %add3A_330 = arith.addi %mul3A_283, %add3A_329 : i32
        %get3A_331 = arith.constant 1 : i32
        %get3A_332 = arith.index_cast %get3A_331 : i32 to index
        %get3A_333 = arith.index_cast %shift_right_logical3A_280 : i32 to index
        %get3A_334 = arith.index_cast %add3A_330 : i32 to index
        %get3A_335 = tpu.vector_load %arg9[%get3A_332, %get3A_333, %get3A_334] {strides = array<i32>} : memref<2x16x1024xf32, #tpu.memory_space<vmem>>, vector<1x1x16xf32>,
        %get3A_336 = vector.shape_cast %get3A_335 : vector<1x1x16xf32> to vector<16xf32>
        %sub3A_337 = arith.subf %get3A_328, %get3A_336 : vector<16xf32>
        %mul3A_338 = arith.mulf %sub3A_337, %sub3A_337 : vector<16xf32>
        %add3A_339 = arith.addf %add3A_320, %mul3A_338 : vector<16xf32>
        %add3A_340 = arith.constant 48 : i32
        %add3A_341 = arith.addi %mul3A_283, %add3A_340 : i32
        %get3A_342 = arith.constant 1 : i32
        %get3A_343 = arith.index_cast %get3A_342 : i32 to index
        %get3A_344 = arith.index_cast %shift_right_logical3A_280 : i32 to index
        %get3A_345 = arith.index_cast %add3A_341 : i32 to index
        %get3A_346 = tpu.vector_load %arg8[%get3A_343, %get3A_344, %get3A_345] {strides = array<i32>} : memref<2x16x1024xf32, #tpu.memory_space<vmem>>, vector<1x1x16xf32>,
        %get3A_347 = vector.shape_cast %get3A_346 : vector<1x1x16xf32> to vector<16xf32>
        %add3A_348 = arith.constant 48 : i32
        %add3A_349 = arith.addi %mul3A_283, %add3A_348 : i32
        %get3A_350 = arith.constant 1 : i32
        %get3A_351 = arith.index_cast %get3A_350 : i32 to index
        %get3A_352 = arith.index_cast %shift_right_logical3A_280 : i32 to index
        %get3A_353 = arith.index_cast %add3A_349 : i32 to index
        %get3A_354 = tpu.vector_load %arg9[%get3A_351, %get3A_352, %get3A_353] {strides = array<i32>} : memref<2x16x1024xf32, #tpu.memory_space<vmem>>, vector<1x1x16xf32>,
        %get3A_355 = vector.shape_cast %get3A_354 : vector<1x1x16xf32> to vector<16xf32>
        %sub3A_356 = arith.subf %get3A_347, %get3A_355 : vector<16xf32>
        %mul3A_357 = arith.mulf %sub3A_356, %sub3A_356 : vector<16xf32>
        %add3A_358 = arith.addf %add3A_339, %mul3A_357 : vector<16xf32>
        %add3A_359 = arith.constant 64 : i32
        %add3A_360 = arith.addi %mul3A_283, %add3A_359 : i32
        %get3A_361 = arith.constant 1 : i32
        %get3A_362 = arith.index_cast %get3A_361 : i32 to index
        %get3A_363 = arith.index_cast %shift_right_logical3A_280 : i32 to index
        %get3A_364 = arith.index_cast %add3A_360 : i32 to index
        %get3A_365 = tpu.vector_load %arg8[%get3A_362, %get3A_363, %get3A_364] {strides = array<i32>} : memref<2x16x1024xf32, #tpu.memory_space<vmem>>, vector<1x1x16xf32>,
        %get3A_366 = vector.shape_cast %get3A_365 : vector<1x1x16xf32> to vector<16xf32>
        %add3A_367 = arith.constant 64 : i32
        %add3A_368 = arith.addi %mul3A_283, %add3A_367 : i32
        %get3A_369 = arith.constant 1 : i32
        %get3A_370 = arith.index_cast %get3A_369 : i32 to index
        %get3A_371 = arith.index_cast %shift_right_logical3A_280 : i32 to index
        %get3A_372 = arith.index_cast %add3A_368 : i32 to index
        %get3A_373 = tpu.vector_load %arg9[%get3A_370, %get3A_371, %get3A_372] {strides = array<i32>} : memref<2x16x1024xf32, #tpu.memory_space<vmem>>, vector<1x1x16xf32>,
        %get3A_374 = vector.shape_cast %get3A_373 : vector<1x1x16xf32> to vector<16xf32>
        %sub3A_375 = arith.subf %get3A_366, %get3A_374 : vector<16xf32>
        %mul3A_376 = arith.mulf %sub3A_375, %sub3A_375 : vector<16xf32>
        %add3A_377 = arith.addf %add3A_358, %mul3A_376 : vector<16xf32>
        %add3A_378 = arith.constant 80 : i32
        %add3A_379 = arith.addi %mul3A_283, %add3A_378 : i32
        %get3A_380 = arith.constant 1 : i32
        %get3A_381 = arith.index_cast %get3A_380 : i32 to index
        %get3A_382 = arith.index_cast %shift_right_logical3A_280 : i32 to index
        %get3A_383 = arith.index_cast %add3A_379 : i32 to index
        %get3A_384 = tpu.vector_load %arg8[%get3A_381, %get3A_382, %get3A_383] {strides = array<i32>} : memref<2x16x1024xf32, #tpu.memory_space<vmem>>, vector<1x1x16xf32>,
        %get3A_385 = vector.shape_cast %get3A_384 : vector<1x1x16xf32> to vector<16xf32>
        %add3A_386 = arith.constant 80 : i32
        %add3A_387 = arith.addi %mul3A_283, %add3A_386 : i32
        %get3A_388 = arith.constant 1 : i32
        %get3A_389 = arith.index_cast %get3A_388 : i32 to index
        %get3A_390 = arith.index_cast %shift_right_logical3A_280 : i32 to index
        %get3A_391 = arith.index_cast %add3A_387 : i32 to index
        %get3A_392 = tpu.vector_load %arg9[%get3A_389, %get3A_390, %get3A_391] {strides = array<i32>} : memref<2x16x1024xf32, #tpu.memory_space<vmem>>, vector<1x1x16xf32>,
        %get3A_393 = vector.shape_cast %get3A_392 : vector<1x1x16xf32> to vector<16xf32>
        %sub3A_394 = arith.subf %get3A_385, %get3A_393 : vector<16xf32>
        %mul3A_395 = arith.mulf %sub3A_394, %sub3A_394 : vector<16xf32>
        %add3A_396 = arith.addf %add3A_377, %mul3A_395 : vector<16xf32>
        %add3A_397 = arith.constant 96 : i32
        %add3A_398 = arith.addi %mul3A_283, %add3A_397 : i32
        %get3A_399 = arith.constant 1 : i32
        %get3A_400 = arith.index_cast %get3A_399 : i32 to index
        %get3A_401 = arith.index_cast %shift_right_logical3A_280 : i32 to index
        %get3A_402 = arith.index_cast %add3A_398 : i32 to index
        %get3A_403 = tpu.vector_load %arg8[%get3A_400, %get3A_401, %get3A_402] {strides = array<i32>} : memref<2x16x1024xf32, #tpu.memory_space<vmem>>, vector<1x1x16xf32>,
        %get3A_404 = vector.shape_cast %get3A_403 : vector<1x1x16xf32> to vector<16xf32>
        %add3A_405 = arith.constant 96 : i32
        %add3A_406 = arith.addi %mul3A_283, %add3A_405 : i32
        %get3A_407 = arith.constant 1 : i32
        %get3A_408 = arith.index_cast %get3A_407 : i32 to index
        %get3A_409 = arith.index_cast %shift_right_logical3A_280 : i32 to index
        %get3A_410 = arith.index_cast %add3A_406 : i32 to index
        %get3A_411 = tpu.vector_load %arg9[%get3A_408, %get3A_409, %get3A_410] {strides = array<i32>} : memref<2x16x1024xf32, #tpu.memory_space<vmem>>, vector<1x1x16xf32>,
        %get3A_412 = vector.shape_cast %get3A_411 : vector<1x1x16xf32> to vector<16xf32>
        %sub3A_413 = arith.subf %get3A_404, %get3A_412 : vector<16xf32>
        %mul3A_414 = arith.mulf %sub3A_413, %sub3A_413 : vector<16xf32>
        %add3A_415 = arith.addf %add3A_396, %mul3A_414 : vector<16xf32>
        %add3A_416 = arith.constant 112 : i32
        %add3A_417 = arith.addi %mul3A_283, %add3A_416 : i32
        %get3A_418 = arith.constant 1 : i32
        %get3A_419 = arith.index_cast %get3A_418 : i32 to index
        %get3A_420 = arith.index_cast %shift_right_logical3A_280 : i32 to index
        %get3A_421 = arith.index_cast %add3A_417 : i32 to index
        %get3A_422 = tpu.vector_load %arg8[%get3A_419, %get3A_420, %get3A_421] {strides = array<i32>} : memref<2x16x1024xf32, #tpu.memory_space<vmem>>, vector<1x1x16xf32>,
        %get3A_423 = vector.shape_cast %get3A_422 : vector<1x1x16xf32> to vector<16xf32>
        %add3A_424 = arith.constant 112 : i32
        %add3A_425 = arith.addi %mul3A_283, %add3A_424 : i32
        %get3A_426 = arith.constant 1 : i32
        %get3A_427 = arith.index_cast %get3A_426 : i32 to index
        %get3A_428 = arith.index_cast %shift_right_logical3A_280 : i32 to index
        %get3A_429 = arith.index_cast %add3A_425 : i32 to index
        %get3A_430 = tpu.vector_load %arg9[%get3A_427, %get3A_428, %get3A_429] {strides = array<i32>} : memref<2x16x1024xf32, #tpu.memory_space<vmem>>, vector<1x1x16xf32>,
        %get3A_431 = vector.shape_cast %get3A_430 : vector<1x1x16xf32> to vector<16xf32>
        %sub3A_432 = arith.subf %get3A_423, %get3A_431 : vector<16xf32>
        %mul3A_433 = arith.mulf %sub3A_432, %sub3A_432 : vector<16xf32>
        %add3A_434 = arith.addf %add3A_415, %mul3A_433 : vector<16xf32>
        %add3A_435 = arith.constant 128 : i32
        %add3A_436 = arith.addi %mul3A_283, %add3A_435 : i32
        %get3A_437 = arith.constant 1 : i32
        %get3A_438 = arith.index_cast %get3A_437 : i32 to index
        %get3A_439 = arith.index_cast %shift_right_logical3A_280 : i32 to index
        %get3A_440 = arith.index_cast %add3A_436 : i32 to index
        %get3A_441 = tpu.vector_load %arg8[%get3A_438, %get3A_439, %get3A_440] {strides = array<i32>} : memref<2x16x1024xf32, #tpu.memory_space<vmem>>, vector<1x1x16xf32>,
        %get3A_442 = vector.shape_cast %get3A_441 : vector<1x1x16xf32> to vector<16xf32>
        %add3A_443 = arith.constant 128 : i32
        %add3A_444 = arith.addi %mul3A_283, %add3A_443 : i32
        %get3A_445 = arith.constant 1 : i32
        %get3A_446 = arith.index_cast %get3A_445 : i32 to index
        %get3A_447 = arith.index_cast %shift_right_logical3A_280 : i32 to index
        %get3A_448 = arith.index_cast %add3A_444 : i32 to index
        %get3A_449 = tpu.vector_load %arg9[%get3A_446, %get3A_447, %get3A_448] {strides = array<i32>} : memref<2x16x1024xf32, #tpu.memory_space<vmem>>, vector<1x1x16xf32>,
        %get3A_450 = vector.shape_cast %get3A_449 : vector<1x1x16xf32> to vector<16xf32>
        %sub3A_451 = arith.subf %get3A_442, %get3A_450 : vector<16xf32>
        %mul3A_452 = arith.mulf %sub3A_451, %sub3A_451 : vector<16xf32>
        %add3A_453 = arith.addf %add3A_434, %mul3A_452 : vector<16xf32>
        %add3A_454 = arith.constant 144 : i32
        %add3A_455 = arith.addi %mul3A_283, %add3A_454 : i32
        %get3A_456 = arith.constant 1 : i32
        %get3A_457 = arith.index_cast %get3A_456 : i32 to index
        %get3A_458 = arith.index_cast %shift_right_logical3A_280 : i32 to index
        %get3A_459 = arith.index_cast %add3A_455 : i32 to index
        %get3A_460 = tpu.vector_load %arg8[%get3A_457, %get3A_458, %get3A_459] {strides = array<i32>} : memref<2x16x1024xf32, #tpu.memory_space<vmem>>, vector<1x1x16xf32>,
        %get3A_461 = vector.shape_cast %get3A_460 : vector<1x1x16xf32> to vector<16xf32>
        %add3A_462 = arith.constant 144 : i32
        %add3A_463 = arith.addi %mul3A_283, %add3A_462 : i32
        %get3A_464 = arith.constant 1 : i32
        %get3A_465 = arith.index_cast %get3A_464 : i32 to index
        %get3A_466 = arith.index_cast %shift_right_logical3A_280 : i32 to index
        %get3A_467 = arith.index_cast %add3A_463 : i32 to index
        %get3A_468 = tpu.vector_load %arg9[%get3A_465, %get3A_466, %get3A_467] {strides = array<i32>} : memref<2x16x1024xf32, #tpu.memory_space<vmem>>, vector<1x1x16xf32>,
        %get3A_469 = vector.shape_cast %get3A_468 : vector<1x1x16xf32> to vector<16xf32>
        %sub3A_470 = arith.subf %get3A_461, %get3A_469 : vector<16xf32>
        %mul3A_471 = arith.mulf %sub3A_470, %sub3A_470 : vector<16xf32>
        %add3A_472 = arith.addf %add3A_453, %mul3A_471 : vector<16xf32>
        %add3A_473 = arith.constant 160 : i32
        %add3A_474 = arith.addi %mul3A_283, %add3A_473 : i32
        %get3A_475 = arith.constant 1 : i32
        %get3A_476 = arith.index_cast %get3A_475 : i32 to index
        %get3A_477 = arith.index_cast %shift_right_logical3A_280 : i32 to index
        %get3A_478 = arith.index_cast %add3A_474 : i32 to index
        %get3A_479 = tpu.vector_load %arg8[%get3A_476, %get3A_477, %get3A_478] {strides = array<i32>} : memref<2x16x1024xf32, #tpu.memory_space<vmem>>, vector<1x1x16xf32>,
        %get3A_480 = vector.shape_cast %get3A_479 : vector<1x1x16xf32> to vector<16xf32>
        %add3A_481 = arith.constant 160 : i32
        %add3A_482 = arith.addi %mul3A_283, %add3A_481 : i32
        %get3A_483 = arith.constant 1 : i32
        %get3A_484 = arith.index_cast %get3A_483 : i32 to index
        %get3A_485 = arith.index_cast %shift_right_logical3A_280 : i32 to index
        %get3A_486 = arith.index_cast %add3A_482 : i32 to index
        %get3A_487 = tpu.vector_load %arg9[%get3A_484, %get3A_485, %get3A_486] {strides = array<i32>} : memref<2x16x1024xf32, #tpu.memory_space<vmem>>, vector<1x1x16xf32>,
        %get3A_488 = vector.shape_cast %get3A_487 : vector<1x1x16xf32> to vector<16xf32>
        %sub3A_489 = arith.subf %get3A_480, %get3A_488 : vector<16xf32>
        %mul3A_490 = arith.mulf %sub3A_489, %sub3A_489 : vector<16xf32>
        %add3A_491 = arith.addf %add3A_472, %mul3A_490 : vector<16xf32>
        %add3A_492 = arith.constant 176 : i32
        %add3A_493 = arith.addi %mul3A_283, %add3A_492 : i32
        %get3A_494 = arith.constant 1 : i32
        %get3A_495 = arith.index_cast %get3A_494 : i32 to index
        %get3A_496 = arith.index_cast %shift_right_logical3A_280 : i32 to index
        %get3A_497 = arith.index_cast %add3A_493 : i32 to index
        %get3A_498 = tpu.vector_load %arg8[%get3A_495, %get3A_496, %get3A_497] {strides = array<i32>} : memref<2x16x1024xf32, #tpu.memory_space<vmem>>, vector<1x1x16xf32>,
        %get3A_499 = vector.shape_cast %get3A_498 : vector<1x1x16xf32> to vector<16xf32>
        %add3A_500 = arith.constant 176 : i32
        %add3A_501 = arith.addi %mul3A_283, %add3A_500 : i32
        %get3A_502 = arith.constant 1 : i32
        %get3A_503 = arith.index_cast %get3A_502 : i32 to index
        %get3A_504 = arith.index_cast %shift_right_logical3A_280 : i32 to index
        %get3A_505 = arith.index_cast %add3A_501 : i32 to index
        %get3A_506 = tpu.vector_load %arg9[%get3A_503, %get3A_504, %get3A_505] {strides = array<i32>} : memref<2x16x1024xf32, #tpu.memory_space<vmem>>, vector<1x1x16xf32>,
        %get3A_507 = vector.shape_cast %get3A_506 : vector<1x1x16xf32> to vector<16xf32>
        %sub3A_508 = arith.subf %get3A_499, %get3A_507 : vector<16xf32>
        %mul3A_509 = arith.mulf %sub3A_508, %sub3A_508 : vector<16xf32>
        %add3A_510 = arith.addf %add3A_491, %mul3A_509 : vector<16xf32>
        %add3A_511 = arith.constant 192 : i32
        %add3A_512 = arith.addi %mul3A_283, %add3A_511 : i32
        %get3A_513 = arith.constant 1 : i32
        %get3A_514 = arith.index_cast %get3A_513 : i32 to index
        %get3A_515 = arith.index_cast %shift_right_logical3A_280 : i32 to index
        %get3A_516 = arith.index_cast %add3A_512 : i32 to index
        %get3A_517 = tpu.vector_load %arg8[%get3A_514, %get3A_515, %get3A_516] {strides = array<i32>} : memref<2x16x1024xf32, #tpu.memory_space<vmem>>, vector<1x1x16xf32>,
        %get3A_518 = vector.shape_cast %get3A_517 : vector<1x1x16xf32> to vector<16xf32>
        %add3A_519 = arith.constant 192 : i32
        %add3A_520 = arith.addi %mul3A_283, %add3A_519 : i32
        %get3A_521 = arith.constant 1 : i32
        %get3A_522 = arith.index_cast %get3A_521 : i32 to index
        %get3A_523 = arith.index_cast %shift_right_logical3A_280 : i32 to index
        %get3A_524 = arith.index_cast %add3A_520 : i32 to index
        %get3A_525 = tpu.vector_load %arg9[%get3A_522, %get3A_523, %get3A_524] {strides = array<i32>} : memref<2x16x1024xf32, #tpu.memory_space<vmem>>, vector<1x1x16xf32>,
        %get3A_526 = vector.shape_cast %get3A_525 : vector<1x1x16xf32> to vector<16xf32>
        %sub3A_527 = arith.subf %get3A_518, %get3A_526 : vector<16xf32>
        %mul3A_528 = arith.mulf %sub3A_527, %sub3A_527 : vector<16xf32>
        %add3A_529 = arith.addf %add3A_510, %mul3A_528 : vector<16xf32>
        %add3A_530 = arith.constant 208 : i32
        %add3A_531 = arith.addi %mul3A_283, %add3A_530 : i32
        %get3A_532 = arith.constant 1 : i32
        %get3A_533 = arith.index_cast %get3A_532 : i32 to index
        %get3A_534 = arith.index_cast %shift_right_logical3A_280 : i32 to index
        %get3A_535 = arith.index_cast %add3A_531 : i32 to index
        %get3A_536 = tpu.vector_load %arg8[%get3A_533, %get3A_534, %get3A_535] {strides = array<i32>} : memref<2x16x1024xf32, #tpu.memory_space<vmem>>, vector<1x1x16xf32>,
        %get3A_537 = vector.shape_cast %get3A_536 : vector<1x1x16xf32> to vector<16xf32>
        %add3A_538 = arith.constant 208 : i32
        %add3A_539 = arith.addi %mul3A_283, %add3A_538 : i32
        %get3A_540 = arith.constant 1 : i32
        %get3A_541 = arith.index_cast %get3A_540 : i32 to index
        %get3A_542 = arith.index_cast %shift_right_logical3A_280 : i32 to index
        %get3A_543 = arith.index_cast %add3A_539 : i32 to index
        %get3A_544 = tpu.vector_load %arg9[%get3A_541, %get3A_542, %get3A_543] {strides = array<i32>} : memref<2x16x1024xf32, #tpu.memory_space<vmem>>, vector<1x1x16xf32>,
        %get3A_545 = vector.shape_cast %get3A_544 : vector<1x1x16xf32> to vector<16xf32>
        %sub3A_546 = arith.subf %get3A_537, %get3A_545 : vector<16xf32>
        %mul3A_547 = arith.mulf %sub3A_546, %sub3A_546 : vector<16xf32>
        %add3A_548 = arith.addf %add3A_529, %mul3A_547 : vector<16xf32>
        %add3A_549 = arith.constant 224 : i32
        %add3A_550 = arith.addi %mul3A_283, %add3A_549 : i32
        %get3A_551 = arith.constant 1 : i32
        %get3A_552 = arith.index_cast %get3A_551 : i32 to index
        %get3A_553 = arith.index_cast %shift_right_logical3A_280 : i32 to index
        %get3A_554 = arith.index_cast %add3A_550 : i32 to index
        %get3A_555 = tpu.vector_load %arg8[%get3A_552, %get3A_553, %get3A_554] {strides = array<i32>} : memref<2x16x1024xf32, #tpu.memory_space<vmem>>, vector<1x1x16xf32>,
        %get3A_556 = vector.shape_cast %get3A_555 : vector<1x1x16xf32> to vector<16xf32>
        %add3A_557 = arith.constant 224 : i32
        %add3A_558 = arith.addi %mul3A_283, %add3A_557 : i32
        %get3A_559 = arith.constant 1 : i32
        %get3A_560 = arith.index_cast %get3A_559 : i32 to index
        %get3A_561 = arith.index_cast %shift_right_logical3A_280 : i32 to index
        %get3A_562 = arith.index_cast %add3A_558 : i32 to index
        %get3A_563 = tpu.vector_load %arg9[%get3A_560, %get3A_561, %get3A_562] {strides = array<i32>} : memref<2x16x1024xf32, #tpu.memory_space<vmem>>, vector<1x1x16xf32>,
        %get3A_564 = vector.shape_cast %get3A_563 : vector<1x1x16xf32> to vector<16xf32>
        %sub3A_565 = arith.subf %get3A_556, %get3A_564 : vector<16xf32>
        %mul3A_566 = arith.mulf %sub3A_565, %sub3A_565 : vector<16xf32>
        %add3A_567 = arith.addf %add3A_548, %mul3A_566 : vector<16xf32>
        %add3A_568 = arith.constant 240 : i32
        %add3A_569 = arith.addi %mul3A_283, %add3A_568 : i32
        %get3A_570 = arith.constant 1 : i32
        %get3A_571 = arith.index_cast %get3A_570 : i32 to index
        %get3A_572 = arith.index_cast %shift_right_logical3A_280 : i32 to index
        %get3A_573 = arith.index_cast %add3A_569 : i32 to index
        %get3A_574 = tpu.vector_load %arg8[%get3A_571, %get3A_572, %get3A_573] {strides = array<i32>} : memref<2x16x1024xf32, #tpu.memory_space<vmem>>, vector<1x1x16xf32>,
        %get3A_575 = vector.shape_cast %get3A_574 : vector<1x1x16xf32> to vector<16xf32>
        %add3A_576 = arith.constant 240 : i32
        %add3A_577 = arith.addi %mul3A_283, %add3A_576 : i32
        %get3A_578 = arith.constant 1 : i32
        %get3A_579 = arith.index_cast %get3A_578 : i32 to index
        %get3A_580 = arith.index_cast %shift_right_logical3A_280 : i32 to index
        %get3A_581 = arith.index_cast %add3A_577 : i32 to index
        %get3A_582 = tpu.vector_load %arg9[%get3A_579, %get3A_580, %get3A_581] {strides = array<i32>} : memref<2x16x1024xf32, #tpu.memory_space<vmem>>, vector<1x1x16xf32>,
        %get3A_583 = vector.shape_cast %get3A_582 : vector<1x1x16xf32> to vector<16xf32>
        %sub3A_584 = arith.subf %get3A_575, %get3A_583 : vector<16xf32>
        %mul3A_585 = arith.mulf %sub3A_584, %sub3A_584 : vector<16xf32>
        %add3A_586 = arith.addf %add3A_567, %mul3A_585 : vector<16xf32>
        scf.yield %add3A_586 : vector<16xf32>
      }
      %scan3A_270 = arith.constant 64 : i32
      %add3A_271 = arith.constant 1 : i32
      %add3A_272 = arith.addi %scan3A_196, %add3A_271 : i32
      %lt3A_273 = arith.constant 4 : i32
      %lt3A_274 = arith.cmpi slt, %add3A_272, %lt3A_273 : i32
      %convert_element_type3A_275 = arith.extui %lt3A_274 : i1 to i32
      %cond3A_276 = arith.constant 0 : i32
      %cond3A_277 = arith.cmpi ne, %convert_element_type3A_275, %cond3A_276 : i32
      scf.if %cond3A_277 {
        %add3A_278 = arith.constant 3 : i32
        %add3A_279 = arith.addi %mul3A_199, %add3A_278 : i32
        %mul3A_280 = arith.constant 16 : i32
        %mul3A_281 = arith.muli %add3A_279, %mul3A_280 : i32
        %dma_start3A_282 = arith.constant 1 : i32
        %dma_start3A_283 = arith.constant 0 : i32
        %dma_start3A_284 = arith.constant 0 : i32
        %dma_start3A_285 = tpu.memref_slice %arg8[%dma_start3A_282, %dma_start3A_283, %dma_start3A_284] : memref<2x16x1024xf32, #tpu.memory_space<vmem>> -> memref<1x16x1024xf32, #tpu.memory_space<vmem>>
        %dma_start3A_286 = tpu.memref_squeeze %dma_start3A_285 : memref<1x16x1024xf32, #tpu.memory_space<vmem>> -> memref<16x1024xf32, #tpu.memory_space<vmem>>
        %dma_start3A_287 = tpu.memref_slice %arg7[%mul3A_281] : memref<128xi32, #tpu.memory_space<vmem>> -> memref<16xi32, #tpu.memory_space<vmem>>
        %dma_start3A_288 = arith.constant 0 : i32
        %dma_start3A_289 = arith.constant 0 : i32
        %dma_start3A_290 = tpu.memref_slice %arg3[%dma_start3A_288, %dma_start3A_289] : memref<65536x1024xf32, #tpu.memory_space<hbm>> -> memref<65536x1024xf32, #tpu.memory_space<hbm>>
        tpu.enqueue_indirect_dma source(%dma_start3A_290 : memref<65536x1024xf32, #tpu.memory_space<hbm>>) target(%dma_start3A_286 : memref<16x1024xf32, #tpu.memory_space<vmem>>) offsets(%dma_start3A_287 : memref<16xi32, #tpu.memory_space<vmem>>) semaphore(%arg12 : memref<!tpu.dma_semaphore, #tpu.memory_space<semaphore_mem>>)
        %mul3A_291 = arith.constant 16 : i32
        %mul3A_292 = arith.muli %add3A_279, %mul3A_291 : i32
        %add3A_293 = arith.addi %mul3A_2, %mul3A_292 : i32
        %dma_start3A_294 = arith.constant 1 : i32
        %dma_start3A_295 = arith.constant 0 : i32
        %dma_start3A_296 = arith.constant 0 : i32
        %dma_start3A_297 = tpu.memref_slice %arg9[%dma_start3A_294, %dma_start3A_295, %dma_start3A_296] : memref<2x16x1024xf32, #tpu.memory_space<vmem>> -> memref<1x16x1024xf32, #tpu.memory_space<vmem>>
        %dma_start3A_298 = tpu.memref_squeeze %dma_start3A_297 : memref<1x16x1024xf32, #tpu.memory_space<vmem>> -> memref<16x1024xf32, #tpu.memory_space<vmem>>
        %dma_start3A_299 = arith.constant 0 : i32
        %dma_start3A_300 = tpu.memref_slice %arg2[%add3A_293, %dma_start3A_299] : memref<4096x1024xf32, #tpu.memory_space<hbm>> -> memref<16x1024xf32, #tpu.memory_space<hbm>>
        %dma_start3A_301 = arith.constant 0 : i32
        %dma_start3A_302 = arith.constant 0 : i32
        %dma_start3A_303 = tpu.memref_slice %arg9[%dma_start3A_294, %dma_start3A_301, %dma_start3A_302] : memref<2x16x1024xf32, #tpu.memory_space<vmem>> -> memref<1x16x1024xf32, #tpu.memory_space<vmem>>
        %dma_start3A_304 = tpu.memref_squeeze %dma_start3A_303 : memref<1x16x1024xf32, #tpu.memory_space<vmem>> -> memref<16x1024xf32, #tpu.memory_space<vmem>>
        %dma_start3A_305 = arith.constant 0 : i32
        %dma_start3A_306 = tpu.memref_slice %arg2[%add3A_293, %dma_start3A_305] : memref<4096x1024xf32, #tpu.memory_space<hbm>> -> memref<16x1024xf32, #tpu.memory_space<hbm>>
        tpu.enqueue_dma source(%dma_start3A_306 : memref<16x1024xf32, #tpu.memory_space<hbm>>) target(%dma_start3A_304 : memref<16x1024xf32, #tpu.memory_space<vmem>>) target_semaphore(%arg14 : memref<!tpu.dma_semaphore, #tpu.memory_space<semaphore_mem>>)
      } else {
      }
      scf.yield %scan3A_269 : vector<16xf32>
    }
    %scan3A_191 = arith.constant 4 : i32
    %swap3A_192 = arith.constant 0 : index
    %swap3A_193 = tpu.vector_load %arg10[%swap3A_192] {strides = array<i32>} : memref<16xf32, #tpu.memory_space<vmem>>, vector<16xf32>,
    %swap3A_194 = vector.shape_cast %swap3A_193 : vector<16xf32> to vector<16xf32>
    %swap3A_195 = vector.shape_cast %scan3A_190 : vector<16xf32> to vector<16xf32>
    tpu.vector_store %arg10[%swap3A_192], %swap3A_195 {strides = array<i32>} : memref<16xf32, #tpu.memory_space<vmem>>, vector<16xf32>,
    "tpu.region"() ({
      %run_scoped3A = tpu.sem_alloc : memref<!tpu.dma_semaphore, #tpu.memory_space<semaphore_mem>>
      %dma_start3A_196 = arith.constant 0 : i32
      %dma_start3A_197 = tpu.memref_slice %arg5[%add3A, %dma_start3A_196] : memref<32x16xf32, #tpu.memory_space<hbm>> -> memref<1x16xf32, #tpu.memory_space<hbm>>
      %dma_start3A_198 = tpu.memref_squeeze %dma_start3A_197 : memref<1x16xf32, #tpu.memory_space<hbm>> -> memref<16xf32, #tpu.memory_space<hbm>>
      %dma_start3A_199 = arith.constant 0 : i32
      %dma_start3A_200 = tpu.memref_slice %arg5[%add3A, %dma_start3A_199] : memref<32x16xf32, #tpu.memory_space<hbm>> -> memref<1x16xf32, #tpu.memory_space<hbm>>
      %dma_start3A_201 = tpu.memref_squeeze %dma_start3A_200 : memref<1x16xf32, #tpu.memory_space<hbm>> -> memref<16xf32, #tpu.memory_space<hbm>>
      tpu.enqueue_dma source(%arg10 : memref<16xf32, #tpu.memory_space<vmem>>) target(%dma_start3A_201 : memref<16xf32, #tpu.memory_space<hbm>>) target_semaphore(%run_scoped3A : memref<!tpu.dma_semaphore, #tpu.memory_space<semaphore_mem>>)
      %dma_wait3A = arith.constant 0 : i32
      %dma_wait3A_202 = tpu.memref_slice %arg5[%add3A, %dma_wait3A] : memref<32x16xf32, #tpu.memory_space<hbm>> -> memref<1x16xf32, #tpu.memory_space<hbm>>
      %dma_wait3A_203 = tpu.memref_squeeze %dma_wait3A_202 : memref<1x16xf32, #tpu.memory_space<hbm>> -> memref<16xf32, #tpu.memory_space<hbm>>
      %dma_wait3A_204 = arith.constant 0 : i32
      %dma_wait3A_205 = tpu.memref_slice %arg5[%add3A, %dma_wait3A_204] : memref<32x16xf32, #tpu.memory_space<hbm>> -> memref<1x16xf32, #tpu.memory_space<hbm>>
      %dma_wait3A_206 = tpu.memref_squeeze %dma_wait3A_205 : memref<1x16xf32, #tpu.memory_space<hbm>> -> memref<16xf32, #tpu.memory_space<hbm>>
      tpu.wait_dma2 semaphore(%run_scoped3A : memref<!tpu.dma_semaphore, #tpu.memory_space<semaphore_mem>>) src(%arg10 : memref<16xf32, #tpu.memory_space<vmem>>) dst(%dma_wait3A_206 : memref<16xf32, #tpu.memory_space<hbm>>)
      tpu.yield
    }) : () -> ()
    return
  }
}

module attributes {stable_mosaic.version = 14 : i64} {
  func.func @_tc_finish_body(%arg0: memref<32x16xf32, #tpu.memory_space<vmem>>, %arg1: memref<1x1xf32, #tpu.memory_space<smem>>) attributes {dimension_semantics = [], scalar_prefetch = 0 : i64, scratch_operands = 0 : i64, tpu.core_type = #tpu.core_type<tc>} {
    %get3A = arith.constant 0 : index
    %get3A_0 = arith.constant 0 : index
    %get3A_1 = vector.load %arg0[%get3A, %get3A_0] : memref<32x16xf32, #tpu.memory_space<vmem>>, vector<32x16xf32>
    %reduce_sum3A = vector.shape_cast %get3A_1 : vector<32x16xf32> to vector<1x32x16xf32>
    %reduce_sum3A_2 = arith.constant dense<0.000000e+00> : vector<1xf32>
    %reduce_sum3A_3 = vector.multi_reduction <add>, %reduce_sum3A, %reduce_sum3A_2 [1, 2] : vector<1x32x16xf32> to vector<1xf32>
    %reduce_sum3A_4 = vector.shape_cast %reduce_sum3A_3 : vector<1xf32> to vector<1x1x1xf32>
    %reduce_sum3A_5 = vector.extract %reduce_sum3A_4[0, 0, 0] : f32 from vector<1x1x1xf32>
    %sqrt3A = math.sqrt %reduce_sum3A_5 : f32
    %div3A = arith.constant 4.096000e+03 : f32
    %div3A_6 = arith.divf %sqrt3A, %div3A : f32
    %swap3A = arith.constant 0 : index
    %swap3A_7 = arith.constant 0 : index
    %swap3A_8 = memref.load %arg1[%swap3A, %swap3A_7] : memref<1x1xf32, #tpu.memory_space<smem>>
    memref.store %div3A_6, %arg1[%swap3A, %swap3A_7] : memref<1x1xf32, #tpu.memory_space<smem>>
    return
  }
}

</mosaic_0001>

<sc_bundles>
// kernel: kernel.4.cloned.1.call-start
scs
__scs_entry_jumppad:
0x0: {  	(pc) =	sbr.rel $0x88, $3  }
0x1: {  	(tag) =	ssettag $0x0;
	lr =	simm.s32 $0x1  }
0x2: {  	[smem:$0x3F9E] =	sst lr;
	_ =	strace $0xD0000000  }
0x3: {  	_ = 	snop  }
0x4: {  	_ = 	snop  }
0x5: {  	_ = 	snop  }
0x6: {  	_ = 	snop  }
0x7: {  	_ = 	snop  }
__scs_overlays_trampoline_lowered:
0x8: {  	[smem:$0x3FAD] =	sst s0  }
0x9: {  	[smem:$0x3FAE] =	sst s1  }
0xa: {  	[smem:$0x3FAF] =	sst s2  }
0xb: {  	[smem:$0x3FB0] =	sst s3  }
0xc: {  	[smem:$0x3FB1] =	sst s4  }
0xd: {  	[smem:$0x3FB2] =	sst s5  }
0xe: {  	[smem:$0x3FB3] =	sst s6  }
0xf: {  	[smem:$0x3FB4] =	sst s7  }
0x10: {  	[smem:$0x3FB5] =	sst s8  }
0x11: {  	[smem:$0x3FB6] =	sst s9;
	s0 =	simm.s32 @!p0 $0x0  }
0x12: {  	s1 =	sld [smem:$0x3F9C];
	s0 =	simm.s32 @p0 $0x1  }
0x13: {  	[smem:$0x3FB7] =	sst s0;
	s0 =	simm.s32 @!p1 $0x0  }
0x14: {  	s2 =	sld [smem:$0x3F9B];
	s0 =	simm.s32 @p1 $0x1  }
0x15: {  	[smem:$0x3FB8] =	sst s0;
	s0 =	simm.s32 @!p2 $0x0  }
0x16: {  	s3 =	sld [smem:$0x3FDB];
	s0 =	simm.s32 @p2 $0x1  }
0x17: {  	s4 =	simm.s32 $0x1BF5;
	[smem:$0x3FBA] =	sst s0  }
0x18: {  	s0 =	sld [smem:$0x3F9D];
	_ =	swait.ge [sflag:s4], $0x0  }
0x19: {  	s7 =	sld [smem:$0x3F9E]  }
0x1a: {  	s8 =	sadd.s32 $0xFFFFE003, lr  }
0x1b: {  	s9 =	sadd.s32 $0xFFFFFEF7, lr;
	s5 =	simm.s32 $0xFFFFFFFF;
	p2 =	slt.u32 s8, $0xFFFFF086  }
0x1c: {  	p1 =	slt.u32 s9, $0xF7A;
	s5 =	simm.s32 @!p2 $0x0  }
0x1d: {  	s5 =	simm.s32 @p1 $0x1;
	p0 =	seq.s32 s7, s2  }
0x1e: {  	s7 =	smul.u32 @!p0 $0xF7A, s2;
	p2 =	seq.s32 @!p0 s5, $0x0  }
0x1f: {  	s9 =	smul.u32 $0xF7A, s1;
	s8 =	simm.s32 @!p0 $0x1BF5;
	p2 =	por !p2, p0  }
0x20: {  	[sflag:s8] =	ssyncset.s32 @!p0 $0xFFFFF086;
	s6 =	sadd.s32 @!p0 s3, s7;
	s7 =	simm.s32 @!p0 $0x108  }
0x21: {  	s3 =	sadd.s32 s3, s9;
	s6 =	sadd.s32 @!p0 $0x88, s6;
	s7 =	simm.s32 @p2 $0x1082  }
0x22: {  	[simem:s7], [sflag:s8] =	dma.local @!p0 [hbm:s6], $0xF7A  }
0x23: {  	s9 =	sor.u32 $0xD0000000, s2;
	s6 =	simm.s32 $0x108;
	_ =	swait.ge @!p0 [sflag:s8], $0x0  }
0x24: {  	s3 =	sadd.s32 $0x88, s3;
	s6 =	simm.s32 @!p1 $0x1082;
	[sflag:s4] =	ssyncset.s32 $0xFFFFF086  }
0x25: {  	[simem:s6], [sflag:s4] =	dma.local [hbm:s3], $0xF7A  }
0x26: {  	[smem:$0x3F9E] =	sst s1;
	(tag) =	ssettag s2;
	_ =	strace s9  }
0x27: {  	s1 =	sld [smem:$0x3FAE]  }
0x28: {  	s2 =	sld [smem:$0x3FAF]  }
0x29: {  	s4 =	sld [smem:$0x3FB1]  }
0x2a: {  	p0 =	seq.s32 s5, $0x0;
	s5 =	sld [smem:$0x3FB2]  }
0x2b: {  	s6 =	sld [smem:$0x3FB3]  }
0x2c: {  	s7 =	sld [smem:$0x3FB4]  }
0x2d: {  	s3 =	simm.s32 $0x108;
	s8 =	sld [smem:$0x3FB5]  }
0x2e: {  	s3 =	simm.s32 @!p0 $0x1082;
	s9 =	sld [smem:$0x3FB6]  }
0x2f: {  	lr =	sadd.s32 s0, s3;
	s0 =	sld [smem:$0x3FAD]  }
0x30: {  	s3 =	sld [smem:$0x3FB0]  }
0x31: {  	[smem:$0x3FB9] =	sst s10  }
0x32: {  	s10 =	sld [smem:$0x3FB7];
	_ =	sdelay $0x3  }
0x33: {  	p0 =	seq.s32 s10, $0x1;
	s10 =	sld [smem:$0x3FB9];
	_ =	sdelay $0x3  }
0x34: {  	[smem:$0x3FB9] =	sst s10  }
0x35: {  	s10 =	sld [smem:$0x3FB8];
	_ =	sdelay $0x3  }
0x36: {  	p1 =	seq.s32 s10, $0x1;
	s10 =	sld [smem:$0x3FB9];
	_ =	sdelay $0x3  }
0x37: {  	[smem:$0x3FB9] =	sst s10  }
0x38: {  	s10 =	sld [smem:$0x3FBA]  }
0x39: {  	_ = 	snop;
	(pc) =	sbr.ind lr, $3  }
0x3a: {  	_ = 	snop  }
0x3b: {  	_ = 	snop  }
0x3c: {  	p2 =	seq.s32 s10, $0x1;
	s10 =	sld [smem:$0x3FB9]  }
0x3d: {  	_ =	shalt  }
0x3e: {  	_ =	shalt  }
0x3f: {  	_ =	shalt  }
0x40: {  	_ =	shalt  }
0x41: {  	_ =	shalt  }
0x42: {  	_ =	shalt  }
0x43: {  	_ =	shalt  }
0x44: {  	_ =	shalt  }
0x45: {  	_ =	shalt  }
0x46: {  	_ =	shalt  }
0x47: {  	_ =	shalt  }
0x48: {  	_ =	shalt  }
0x49: {  	_ =	shalt  }
0x4a: {  	_ =	shalt  }
0x4b: {  	_ =	shalt  }
0x4c: {  	_ =	shalt  }
0x4d: {  	_ =	shalt  }
0x4e: {  	_ =	shalt  }
0x4f: {  	_ =	shalt  }
0x50: {  	_ =	shalt  }
0x51: {  	_ =	shalt  }
0x52: {  	_ =	shalt  }
0x53: {  	_ =	shalt  }
0x54: {  	_ =	shalt  }
0x55: {  	_ =	shalt  }
0x56: {  	_ =	shalt  }
0x57: {  	_ =	shalt  }
0x58: {  	_ =	shalt  }
0x59: {  	_ =	shalt  }
0x5a: {  	_ =	shalt  }
0x5b: {  	_ =	shalt  }
0x5c: {  	_ =	shalt  }
0x5d: {  	_ =	shalt  }
0x5e: {  	_ =	shalt  }
0x5f: {  	_ =	shalt  }
0x60: {  	_ =	shalt  }
0x61: {  	_ =	shalt  }
0x62: {  	_ =	shalt  }
0x63: {  	_ =	shalt  }
0x64: {  	_ =	shalt  }
0x65: {  	_ =	shalt  }
0x66: {  	_ =	shalt  }
0x67: {  	_ =	shalt  }
0x68: {  	_ =	shalt  }
0x69: {  	_ =	shalt  }
0x6a: {  	_ =	shalt  }
0x6b: {  	_ =	shalt  }
0x6c: {  	_ =	shalt  }
0x6d: {  	_ =	shalt  }
0x6e: {  	_ =	shalt  }
0x6f: {  	_ =	shalt  }
0x70: {  	_ =	shalt  }
0x71: {  	_ =	shalt  }
0x72: {  	_ =	shalt  }
0x73: {  	_ =	shalt  }
0x74: {  	_ =	shalt  }
0x75: {  	_ =	shalt  }
0x76: {  	_ =	shalt  }
0x77: {  	_ =	shalt  }
0x78: {  	_ =	shalt  }
0x79: {  	_ =	shalt  }
0x7a: {  	_ =	shalt  }
0x7b: {  	_ =	shalt  }
0x7c: {  	_ =	shalt  }
0x7d: {  	_ =	shalt  }
0x7e: {  	_ =	shalt  }
0x7f: {  	_ =	shalt  }
0x80: {  	_ =	shalt  }
0x81: {  	_ =	shalt  }
0x82: {  	_ =	shalt  }
0x83: {  	_ =	shalt  }
0x84: {  	_ =	shalt  }
0x85: {  	_ =	shalt  }
0x86: {  	_ =	shalt  }
0x87: {  	_ =	shalt  }
.Lfunc_end0:
.L_simem_size_0:
called_computation_lowered:
.L_overlay_start_0:
0x88: {  	s2 =	sld [smem:$0x3FD9]  }
0x89: {  	s3 =	sld [smem:$0x3FFE];
	_ =	sdelay $0x1  }
0x8a: {  	s1 =	srdreg.scid  }
0x8b: {  	s0 =	sand.u32 $0x1, s1  }
0x8c: {  	s17 =	sshll.u32 s0, $0xA;
	s2 =	sadd.s32 s3, s2  }
0x8d: {  	s2 =	sadd.s32 s2, s17  }
0x8e: {  	[smem:$0x3FC5] =	sst s2  }
0x8f: {  	_ = 	snop  }
0x90: {  	s2 =	sld [smem:$0x3FC9]  }
0x91: {  	s18 =	sld [smem:$0x3FC8]  }
0x92: {  	s4 =	sld [smem:$0x3FC7];
	(tm) =	ssettm $0x1  }
0x93: {  	s5 =	sld [smem:$0x3FFB];
	_ =	sdelay $0x3  }
0x94: {  	_ =	strace s5  }
0x95: {  	s5 =	sld [smem:$0x3FFC];
	_ =	sdelay $0x3  }
0x96: {  	_ =	strace s5  }
0x97: {  	s5 =	sld [smem:$0x3FFD];
	_ =	sdelay $0x3  }
0x98: {  	_ =	strace s5  }
0x99: {  	_ =	strace $0x8FFFFFFF  }
0x9a: {  	s19 =	sld [smem:$0x3FDB];
	_ =	sdelay $0x1  }
0x9b: {  	s6 =	simm.s32 $_scs_section_size  }
0x9c: {  	s7 =	simm.s32 $_size__tile_overlayer_lowered;
	s8 =	simm.s32 $_tile_overlayer_lowered  }
0x9d: {  	s22 =	simm.s32 $0x1BFF;
	s21 =	sshll.u32 s8, $0x1;
	s5 =	sadd.s32 s6, s19  }
0x9e: {  	s9 =	simm.s32 $0x0;
	s20 =	sshll.u32 s7, $0x1;
	s7 =	sadd.s32 s21, s5  }
0x9f: {  	[timem:s9], [sflag:s22] =	dma.local [hbm:s7], s20  }
0xa0: {  	_ =	swait.ge [sflag:s22], s20  }
0xa1: {  	s6 =	ssub.s32 $0x0, s20;
	[sflag:s22] =	ssyncset.done $0x0  }
0xa2: {  	[sflag:s22] =	ssyncadd.s32 s6;
	_ =	sdelay $0x1  }
0xa3: {  	s23 =	simm.s32 $0x1B8B  }
0xa4: {  	_ =	swait.ge [sflag:s23], $0x1  }
0xa5: {  	[sflag:s23] =	ssyncset.done $0x0  }
0xa6: {  	s25 =	simm.s32 $0x1B8E;
	s24 =	sld [smem:$0x3FFE];
	[sflag:s23] =	ssyncadd.s32 $0xFFFFFFFF  }
0xa7: {  	s26 =	simm.s32 $execute0_lowered;
	[smem:$0x3FD2] =	sst s25  }
0xa8: {  	s7 =	sshll.u32 s26, $0x1;
	_ =	strace $0x80000046;
	[dreg:$0x1] =	wrdreg $0xFFFFFFFF  }
0xa9: {  	s28 =	simm.s32 $_size_execute0_lowered;
	s5 =	sadd.s32 s5, s7;
	[dreg:$0x0] =	wrdreg $0x0  }
0xaa: {  	s7 =	sshll.u32 s28, $0x1;
	[dreg:$0x2] =	wrdreg s5  }
0xab: {  	[dreg:$0x3] =	wrdreg s7  }
0xac: {  	[dreg:$0x4] =	wrdreg $0xC0  }
0xad: {  	_ =	task [dreg:s9], $0x5FFFF  }
0xae: {  	[dreg:$0x1] =	wrdreg $0xFFFFFFFF  }
0xaf: {  	[dreg:$0x0] =	wrdreg $0x60  }
0xb0: {  	[dreg:$0x2] =	wrdreg s2  }
0xb1: {  	[dreg:$0x3] =	wrdreg s18  }
0xb2: {  	[dreg:$0x4] =	wrdreg s4  }
0xb3: {  	[dreg:$0x5] =	wrdreg s24  }
0xb4: {  	[dreg:$0x6] =	wrdreg $0x9  }
0xb5: {  	_ =	task.clear_ibuf [dreg:s9], $0x7FFFF;
	_ =	strace $0x90000046  }
0xb6: {  	s29 =	simm.s32 $0x9;
	_ =	strace $0x80000048  }
0xb7: {  	_ =	swait.ge [sflag:s29], $0x1  }
0xb8: {  	[sflag:s29] =	ssyncadd.s32 $0xFFFFFFFF  }
0xb9: {  	_ =	strace $0x90000048  }
0xba: {  	_ =	sfence  }
0xbb: {  	s30 =	sld [smem:$0x0];
	_ =	sdelay $0x2  }
0xbc: {  	s31 =	sshll.u32 s1, $0xD;
	s1 =	sshrl.u32 s1, $0x2  }
0xbd: {  	s3 =	sand.u32 $0x4000, s31;
	s1 =	sadd.s32 s1, s30  }
0xbe: {  	s0 =	sor.u32 s3, s0;
	s1 =	sshll.u32 s1, $0x11  }
0xbf: {  	s0 =	sor.u32 s1, s0  }
0xc0: {  	s0 =	sadd.s32 $0x8F2B, s0  }
0xc1: {  	[sflag:s0] =	ssyncadd.remote.s32 $0x1  }
0xc2: {  	_ =	sfence.sel $0xFFFF  }
0xc3: {  	[dreg:$0x0] =	wrdreg $0xFFFFFFFF;
	(pc) =	sbr.abs _section_cstart, $3  }
0xc4: {  	[dreg:$0x1] =	wrdreg $0xFFFFFFFF  }
0xc5: {  	_ =	task.clear_ibuf [dreg:s9], $0x2FFFF;
	_ =	strace $0x9FFFFFFF  }
0xc6: {  	(tm) =	ssettm $0x7FFFFFFF  }
0xc7: {  	_ =	shalt  }
tec
execute0_lowered:
.L_overlay_start_1:
0x0: {  	(tag) =	ssettag $0x1  }
0x1: {  	s1 =	rddreg [dreg:$0x0]  }
0x2: {  	s2 =	rddreg [dreg:$0x1]  }
0x3: {  	s0 =	rddreg [dreg:$0x2]  }
0x4: {  	s3 =	rddreg [dreg:$0x3]  }
0x5: {  	s5 =	srdreg.scid;
	s7 =	stileid.u32;
	s4 =	simm.s32 $0x0  }
0x6: {  	s6 =	sand.u32 $0x1, s5;
	s29 =	sshll.u32 s7, $0x1;
	[smem:$0x7FF] =	sst s4  }
0x7: {  	s16 =	simm.s32 $0x5;
	s9 =	sor.u32 s6, s29;
	_ =	strace $0x80000047  }
0x8: {  	s6 =	ssub.s32 $0x2, s6;
	s8 =	sshll.u32 s9, $0x4;
	s5 =	sshll.u32 s9, $0x7  }
0x9: {  	s30 =	sshrl.u32 s6, $0x1;
	s11 =	sshll.u32 s9, $0xE;
	s31 =	sshll.u32 s9, $0xB  }
0xa: {  	s9 =	sadd.s32 $0x100, s2;
	s3 =	sadd.s32 s8, s3;
	s10 =	sor.u32 $0x10, s5  }
0xb: {  	s13 =	ssub.s32 s6, s30;
	s6 =	sadd.s32 s1, s11;
	s8 =	sadd.s32 s0, s8  }
0xc: {  	s15 =	sor.u32 $0x200, s31;
	s17 =	sor.u32 $0x300, s31;
	s18 =	sor.u32 $0x400, s31  }
0xd: {  	v10 =	vlaneseq.u32;
	s19 =	sor.u32 $0x500, s31;
	s20 =	sor.u32 $0x600, s31;
	s21 =	sor.u32 $0x700, s31  }
0xe: {  	vm0 =	vmmov $0xffff;
	v7 =	vmul.u32 $0x10, v10;
	s11 =	sadd.s32 $0x300, s2;
	s0 =	simm.s32 $0x7100;
	s12 =	sshll.u32 s10, $0x7  }
0xf: {  	v8 =	vand.u32 $0x7, v10;
	v9 =	vshrl.u32 v10, $0x3;
	v10 =	vor.u32 $0x8, v10;
	s14 =	sshll.u32 s10, $0x4;
	s10 =	sadd.s32 $0x200, s2;
	s13 =	smax.u32 s13, $0x1  }
0x10: {  	v2 =	vor.u32 s15, v7;
	v3 =	vor.u32 s17, v7;
	v4 =	vor.u32 s18, v7;
	s15 =	simm.s32 $0x3;
	s17 =	simm.s32 $0x2;
	s18 =	simm.s32 $0x4  }
0x11: {  	v9 =	vmul.u32 $0x8, v9;
	v5 =	vor.u32 s19, v7;
	v6 =	vor.u32 s20, v7;
	s19 =	simm.s32 $0x10100;
	s20 =	simm.s32 $0x0;
	s7 =	sadd.s32 s1, s12  }
0x12: {  	v0 =	vor.u32 s31, v7;
	s12 =	sadd.s32 $0x600, s3;
	v1 =	vor.u32 s14, v7;
	s3 =	simm.s32 $0x7900;
	v7 =	vor.u32 s21, v7;
	s14 =	simm.s32 $0x1  }
.LBB2_1:
0x13: {  	s21 =	simm.s32 $0x8100  }
0x14: {  	[tilespmem:s21], [sflag:$0x3] =	stream.linear.gather [hbm4b:s6+s4], $0x4000, $0x38;
	[tilespmem:$0x10180] =	vst v63  }
0x15: {  	s25 =	simm.s32 $0xC100  }
0x16: {  	[tilespmem:s25], [sflag:$0x4] =	stream.linear.gather [hbm4b:s7+s4], $0x4000, $0x38;
	[tilespmem:$0x10180] =	vst v63  }
0x17: {  	_ = 	snop  }
0x18: {  	[tilespmem:s4], [sflag:$0x5] =	stream.linear.gather [hbm4b:s8+s4], $0x80, $0x38;
	[tilespmem:$0x10180] =	vst v63  }
0x19: {  	_ =	swait.ge [sflag:s16], $0x80  }
0x1a: {  	[sflag:s16] =	ssyncset.done $0x0  }
0x1b: {  	[sflag:s16] =	ssyncadd.s32 $0xFFFFFF80  }
0x1c: {  	v11 =	vld [tilespmem:$0x0];
	_ =	sdelay $0x2  }
0x1d: {  	v12 =	vld [tilespmem:$0x10]  }
0x1e: {  	v13 =	vld [tilespmem:$0x20]  }
0x1f: {  	v15 =	vld [tilespmem:$0x30];
	v14 =	vadd.s32 v0, v11  }
0x20: {  	v16 =	vld [tilespmem:$0x40];
	v17 =	vshll.u32 v14, $0x3  }
0x21: {  	v18 =	vld [tilespmem:$0x50];
	v11 =	vand.u32 $0x7, v11;
	v17 =	vand.u32 $0xFFFFFFC0, v17  }
0x22: {  	v54 =	vld [tilespmem:$0x60];
	v12 =	vadd.s32 v12, v1;
	[tilespmem:$0x80] =	vst v14;
	v11 =	vor.u32 v11, v17  }
0x23: {  	v56 =	vld [tilespmem:$0x70];
	v55 =	vadd.s32 v13, v2;
	[tilespmem:$0x90] =	vst v12;
	v17 =	vperm.xlane v11, v8  }
0x24: {  	v57 =	vadd.s32 v15, v3;
	[tilespmem:$0xA0] =	vst v55  }
0x25: {  	v58 =	vadd.s32 v16, v4;
	[tilespmem:$0xB0] =	vst v57;
	v59 =	vadd.s32 v9, v17  }
0x26: {  	v60 =	vadd.s32 v18, v5;
	[tilespmem:$0xC0] =	vst v58  }
0x27: {  	v61 =	vadd.s32 v54, v6;
	[tilespmem:$0xD0] =	vst v60  }
0x28: {  	v62 =	vadd.s32 v56, v7;
	[tilespmem:$0xE0] =	vst v61  }
0x29: {  	s26 =	simm.s32 $0x100;
	[tilespmem:$0xF0] =	vst v62  }
0x2a: {  	[tilespmem:s26], [sflag:$0x1] =	stream.indirect_vreg.gather [hbm4b:s2+s4], $0x80, v59, vm0, $0xb8;
	[tilespmem:$0x10180] =	vst v63  }
0x2b: {  	s28 =	simm.s32 $0x900;
	v11 =	vperm.xlane v11, v10  }
0x2c: {  	[tilespmem:s28], [sflag:$0x1] =	stream.indirect_vreg.gather [hbm4b:s9+s4], $0x80, v59, vm0, $0xb8;
	[tilespmem:$0x10180] =	vst v63  }
0x2d: {  	s29 =	simm.s32 $0x1100;
	v11 =	vadd.s32 v9, v11  }
0x2e: {  	[tilespmem:s29], [sflag:$0x1] =	stream.indirect_vreg.gather [hbm4b:s10+s4], $0x80, v59, vm0, $0xb8;
	[tilespmem:$0x10180] =	vst v63  }
0x2f: {  	s30 =	simm.s32 $0x1900  }
0x30: {  	[tilespmem:s30], [sflag:$0x1] =	stream.indirect_vreg.gather [hbm4b:s11+s4], $0x80, v59, vm0, $0xb8;
	[tilespmem:$0x10180] =	vst v63  }
0x31: {  	s31 =	simm.s32 $0x2100  }
0x32: {  	[tilespmem:s31], [sflag:$0x1] =	stream.indirect_vreg.gather [hbm4b:s2+s4], $0x80, v11, vm0, $0xb8;
	[tilespmem:$0x10180] =	vst v63  }
0x33: {  	s22 =	simm.s32 $0x2900  }
0x34: {  	[tilespmem:s22], [sflag:$0x1] =	stream.indirect_vreg.gather [hbm4b:s9+s4], $0x80, v11, vm0, $0xb8;
	[tilespmem:$0x10180] =	vst v63  }
0x35: {  	s23 =	simm.s32 $0x3100  }
0x36: {  	[tilespmem:s23], [sflag:$0x1] =	stream.indirect_vreg.gather [hbm4b:s10+s4], $0x80, v11, vm0, $0xb8;
	[tilespmem:$0x10180] =	vst v63  }
0x37: {  	s24 =	simm.s32 $0x3900  }
0x38: {  	[tilespmem:s24], [sflag:$0x1] =	stream.indirect_vreg.gather [hbm4b:s11+s4], $0x80, v11, vm0, $0xb8;
	[tilespmem:$0x10180] =	vst v63  }
0x39: {  	v11 =	vld [tilespmem:$0x90];
	_ =	sdelay $0x4  }
0x3a: {  	v63 =	vshll.u32 v11, $0x3  }
0x3b: {  	v11 =	vand.u32 $0x7, v11;
	v12 =	vand.u32 $0xFFFFFFC0, v63  }
0x3c: {  	v11 =	vor.u32 v11, v12  }
0x3d: {  	v12 =	vperm.xlane v11, v8;
	_ =	sdelay $0x1  }
0x3e: {  	v12 =	vadd.s32 v9, v12;
	_ =	sdelay $0x3  }
0x3f: {  	s25 =	simm.s32 $0x4100  }
0x40: {  	[tilespmem:s25], [sflag:$0x2] =	stream.indirect_vreg.gather [hbm4b:s2+s4], $0x80, v12, vm0, $0xb8;
	[tilespmem:$0x10180] =	vst v63  }
0x41: {  	s26 =	simm.s32 $0x4900;
	v11 =	vperm.xlane v11, v10  }
0x42: {  	[tilespmem:s26], [sflag:$0x2] =	stream.indirect_vreg.gather [hbm4b:s9+s4], $0x80, v12, vm0, $0xb8;
	[tilespmem:$0x10180] =	vst v63  }
0x43: {  	s28 =	simm.s32 $0x5100;
	v11 =	vadd.s32 v9, v11  }
0x44: {  	[tilespmem:s28], [sflag:$0x2] =	stream.indirect_vreg.gather [hbm4b:s10+s4], $0x80, v12, vm0, $0xb8;
	[tilespmem:$0x10180] =	vst v63  }
0x45: {  	s29 =	simm.s32 $0x5900  }
0x46: {  	[tilespmem:s29], [sflag:$0x2] =	stream.indirect_vreg.gather [hbm4b:s11+s4], $0x80, v12, vm0, $0xb8;
	[tilespmem:$0x10180] =	vst v63  }
0x47: {  	s30 =	simm.s32 $0x6100  }
0x48: {  	[tilespmem:s30], [sflag:$0x2] =	stream.indirect_vreg.gather [hbm4b:s2+s4], $0x80, v11, vm0, $0xb8;
	[tilespmem:$0x10180] =	vst v63  }
0x49: {  	s31 =	simm.s32 $0x6900  }
0x4a: {  	[tilespmem:s31], [sflag:$0x2] =	stream.indirect_vreg.gather [hbm4b:s9+s4], $0x80, v11, vm0, $0xb8;
	[tilespmem:$0x10180] =	vst v63  }
0x4b: {  	_ = 	snop  }
0x4c: {  	[tilespmem:s0], [sflag:$0x2] =	stream.indirect_vreg.gather [hbm4b:s10+s4], $0x80, v11, vm0, $0xb8;
	[tilespmem:$0x10180] =	vst v63  }
0x4d: {  	s21 =	simm.s32 $0x0  }
0x4e: {  	[tilespmem:s3], [sflag:$0x2] =	stream.indirect_vreg.gather [hbm4b:s11+s4], $0x80, v11, vm0, $0xb8;
	v11 =	vimm.f32 $0.0e+00;
	[tilespmem:$0x10180] =	vst v63  }
.LBB2_2:
0x4f: {  	_ =	swait.ge [sflag:s14], $0x4000  }
0x50: {  	[sflag:s14] =	ssyncset.done $0x0  }
0x51: {  	s22 =	simm.s32 $0x0;
	[sflag:s14] =	ssyncadd.s32 $0xFFFFC000  }
0x52: {  	s23 =	sand.u32 $0x2000, s22;
	s24 =	sand.u32 $0x1800, s22;
	_ =	swait.ge [sflag:s15], $0x4000  }
0x53: {  	s22 =	sand.u32 $0x380, s22;
	s23 =	sor.u32 s24, s23;
	[sflag:s15] =	ssyncset.done $0x0  }
0x54: {  	s22 =	sor.u32 s22, s23;
	[sflag:s15] =	ssyncadd.s32 $0xFFFFC000  }
0x55: {  	v12 =	vld [tilespmem:s22+$0x100]  }
0x56: {  	v13 =	vld [tilespmem:s22+$0x8100]  }
0x57: {  	v14 =	vld [tilespmem:s22+$0x110]  }
0x58: {  	v15 =	vld [tilespmem:s22+$0x8110]  }
0x59: {  	v16 =	vld [tilespmem:s22+$0x120]  }
0x5a: {  	v17 =	vld [tilespmem:s22+$0x8120]  }
0x5b: {  	v18 =	vld [tilespmem:s22+$0x8130];
	v12 =	vsub.f32 v12, v13  }
0x5c: {  	v13 =	vld [tilespmem:s22+$0x130]  }
0x5d: {  	v19 =	vld [tilespmem:s22+$0x8140];
	v14 =	vsub.f32 v14, v15;
	v12 =	vmul.f32 v12, v12  }
0x5e: {  	v15 =	vld [tilespmem:s22+$0x140]  }
0x5f: {  	v11 =	vadd.f32 v12, v11;
	v12 =	vmul.f32 v14, v14;
	v14 =	vsub.f32 v16, v17;
	v16 =	vld [tilespmem:s22+$0x150]  }
0x60: {  	v17 =	vld [tilespmem:s22+$0x8150]  }
0x61: {  	v13 =	vsub.f32 v13, v18;
	v18 =	vld [tilespmem:s22+$0x8160];
	v11 =	vadd.f32 v12, v11;
	v12 =	vmul.f32 v14, v14  }
0x62: {  	v14 =	vld [tilespmem:s22+$0x160]  }
0x63: {  	v11 =	vadd.f32 v12, v11;
	v12 =	vmul.f32 v13, v13;
	v13 =	vsub.f32 v15, v19;
	v15 =	vld [tilespmem:s22+$0x170]  }
0x64: {  	v19 =	vld [tilespmem:s22+$0x8170]  }
0x65: {  	v11 =	vadd.f32 v12, v11;
	v12 =	vmul.f32 v13, v13;
	v13 =	vsub.f32 v16, v17;
	v16 =	vld [tilespmem:s22+$0x500]  }
0x66: {  	v17 =	vld [tilespmem:s22+$0x8500]  }
0x67: {  	v11 =	vadd.f32 v12, v11;
	v12 =	vmul.f32 v13, v13;
	v13 =	vsub.f32 v14, v18;
	v14 =	vld [tilespmem:s22+$0x510]  }
0x68: {  	v18 =	vld [tilespmem:s22+$0x8510]  }
0x69: {  	v11 =	vadd.f32 v12, v11;
	v12 =	vmul.f32 v13, v13;
	v13 =	vsub.f32 v15, v19;
	v15 =	vld [tilespmem:s22+$0x520]  }
0x6a: {  	v19 =	vld [tilespmem:s22+$0x8520]  }
0x6b: {  	v11 =	vadd.f32 v12, v11;
	v12 =	vmul.f32 v13, v13;
	v13 =	vsub.f32 v16, v17;
	v16 =	vld [tilespmem:s22+$0x530]  }
0x6c: {  	v17 =	vld [tilespmem:s22+$0x8530]  }
0x6d: {  	v20 =	vld [tilespmem:s22+$0x540];
	v11 =	vadd.f32 v12, v11;
	v12 =	vmul.f32 v13, v13;
	v13 =	vsub.f32 v14, v18  }
0x6e: {  	v21 =	vld [tilespmem:s22+$0x8540]  }
0x6f: {  	v14 =	vld [tilespmem:s22+$0x8550];
	v15 =	vsub.f32 v15, v19;
	v11 =	vadd.f32 v12, v11;
	v12 =	vmul.f32 v13, v13  }
0x70: {  	v13 =	vld [tilespmem:s22+$0x550]  }
0x71: {  	s31 =	simm.s32 $0x800;
	s23 =	simm.s32 $0x100;
	v15 =	vmul.f32 v15, v15;
	v17 =	vsub.f32 v16, v17;
	v18 =	vadd.f32 v12, v11;
	v11 =	vld [tilespmem:s22+$0x560]  }
0x72: {  	s26 =	sand.u32 $0x1800, s31;
	s24 =	simm.s32 $0x20;
	s25 =	sand.u32 $0x2000, s23;
	v12 =	vld [tilespmem:s22+$0x8560]  }
0x73: {  	s28 =	sand.u32 $0x380, s24;
	s26 =	sor.u32 s26, s25;
	s25 =	simm.s32 $0x1000;
	v16 =	vadd.f32 v15, v18;
	v18 =	vmul.f32 v17, v17;
	v17 =	vsub.f32 v20, v21;
	v15 =	vld [tilespmem:s22+$0x570]  }
.LBB2_3:
0x74: {  	p0 =	sne.s32 s25, $0x1F800;
	v19 =	vld [tilespmem:s22+$0x8570];
	s22 =	sor.u32 s28, s26  }
0x75: {  	v20 =	vld [tilespmem:s22+$0x100];
	v16 =	vadd.f32 v18, v16;
	v17 =	vmul.f32 v17, v17;
	v13 =	vsub.f32 v13, v14  }
0x76: {  	v14 =	vld [tilespmem:s22+$0x8100]  }
0x77: {  	v18 =	vld [tilespmem:s22+$0x110];
	v16 =	vadd.f32 v17, v16;
	v13 =	vmul.f32 v13, v13;
	v11 =	vsub.f32 v11, v12  }
0x78: {  	v12 =	vld [tilespmem:s22+$0x8110]  }
0x79: {  	v17 =	vld [tilespmem:s22+$0x120];
	v13 =	vadd.f32 v13, v16;
	v11 =	vmul.f32 v11, v11;
	v15 =	vsub.f32 v15, v19  }
0x7a: {  	v16 =	vld [tilespmem:s22+$0x8120]  }
0x7b: {  	v14 =	vsub.f32 v20, v14;
	v19 =	vld [tilespmem:s22+$0x130];
	v11 =	vadd.f32 v11, v13;
	v13 =	vmul.f32 v15, v15  }
0x7c: {  	v15 =	vld [tilespmem:s22+$0x8130]  }
0x7d: {  	v14 =	vmul.f32 v14, v14;
	v12 =	vsub.f32 v18, v12;
	v18 =	vld [tilespmem:s22+$0x140];
	v11 =	vadd.f32 v13, v11  }
0x7e: {  	v13 =	vld [tilespmem:s22+$0x8140]  }
0x7f: {  	v11 =	vadd.f32 v14, v11;
	v12 =	vmul.f32 v12, v12;
	v14 =	vsub.f32 v17, v16;
	v16 =	vld [tilespmem:s22+$0x150]  }
0x80: {  	v17 =	vld [tilespmem:s22+$0x8150]  }
0x81: {  	v11 =	vadd.f32 v12, v11;
	v12 =	vmul.f32 v14, v14;
	v14 =	vsub.f32 v19, v15;
	v15 =	vld [tilespmem:s22+$0x160]  }
0x82: {  	v19 =	vld [tilespmem:s22+$0x8160]  }
0x83: {  	v11 =	vadd.f32 v12, v11;
	v12 =	vmul.f32 v14, v14;
	v13 =	vsub.f32 v18, v13;
	v14 =	vld [tilespmem:s22+$0x170]  }
0x84: {  	v18 =	vld [tilespmem:s22+$0x8170]  }
0x85: {  	v11 =	vadd.f32 v12, v11;
	v12 =	vmul.f32 v13, v13;
	v13 =	vsub.f32 v16, v17;
	v16 =	vld [tilespmem:s22+$0x500]  }
0x86: {  	v17 =	vld [tilespmem:s22+$0x8500]  }
0x87: {  	v11 =	vadd.f32 v12, v11;
	v12 =	vmul.f32 v13, v13;
	v13 =	vsub.f32 v15, v19;
	v15 =	vld [tilespmem:s22+$0x510]  }
0x88: {  	v19 =	vld [tilespmem:s22+$0x8510]  }
0x89: {  	v11 =	vadd.f32 v12, v11;
	v12 =	vmul.f32 v13, v13;
	v13 =	vsub.f32 v14, v18;
	v14 =	vld [tilespmem:s22+$0x520]  }
0x8a: {  	v18 =	vld [tilespmem:s22+$0x8520]  }
0x8b: {  	v11 =	vadd.f32 v12, v11;
	v12 =	vmul.f32 v13, v13;
	v13 =	vsub.f32 v16, v17;
	v16 =	vld [tilespmem:s22+$0x530]  }
0x8c: {  	v17 =	vld [tilespmem:s22+$0x8530]  }
0x8d: {  	v11 =	vadd.f32 v12, v11;
	v12 =	vmul.f32 v13, v13;
	v13 =	vsub.f32 v15, v19;
	v15 =	vld [tilespmem:s22+$0x540]  }
0x8e: {  	v19 =	vld [tilespmem:s22+$0x8540]  }
.Ltmp0:
0x8f: {  	v11 =	vadd.f32 v12, v11;
	v12 =	vmul.f32 v13, v13;
	v18 =	vsub.f32 v14, v18;
	v13 =	vld [tilespmem:s22+$0x550];
	(pc) =	sbr.rel @p0 .LBB2_3-.Ltmp0, $4  }
0x90: {  	v14 =	vld [tilespmem:s22+$0x8550]  }
0x91: {  	s23 =	sadd.s32 $0x100, s23;
	v20 =	vadd.f32 v12, v11;
	v18 =	vmul.f32 v18, v18;
	v17 =	vsub.f32 v16, v17;
	v11 =	vld [tilespmem:s22+$0x560]  }
0x92: {  	s28 =	sand.u32 $0x1800, s25;
	s24 =	sadd.s32 $0x20, s24;
	s26 =	sand.u32 $0x2000, s23;
	v12 =	vld [tilespmem:s22+$0x8560]  }
0x93: {  	s25 =	sadd.s32 $0x800, s25;
	s26 =	sor.u32 s28, s26;
	s28 =	sand.u32 $0x380, s24;
	v16 =	vadd.f32 v18, v20;
	v18 =	vmul.f32 v17, v17;
	v17 =	vsub.f32 v15, v19;
	v15 =	vld [tilespmem:s22+$0x570]  }
0x94: {  	s23 =	sor.u32 s28, s26;
	v19 =	vld [tilespmem:s22+$0x8570]  }
0x95: {  	v20 =	vld [tilespmem:s23+$0x100]  }
0x96: {  	v21 =	vld [tilespmem:s23+$0x8100]  }
0x97: {  	v22 =	vld [tilespmem:s23+$0x110]  }
0x98: {  	v23 =	vld [tilespmem:s23+$0x8110]  }
0x99: {  	v24 =	vld [tilespmem:s23+$0x120]  }
0x9a: {  	v25 =	vld [tilespmem:s23+$0x8120]  }
0x9b: {  	v26 =	vld [tilespmem:s23+$0x130]  }
0x9c: {  	v27 =	vld [tilespmem:s23+$0x8130]  }
0x9d: {  	v28 =	vld [tilespmem:s23+$0x140]  }
0x9e: {  	v29 =	vld [tilespmem:s23+$0x8140]  }
0x9f: {  	v30 =	vld [tilespmem:s23+$0x150]  }
0xa0: {  	v31 =	vld [tilespmem:s23+$0x8150]  }
0xa1: {  	v32 =	vld [tilespmem:s23+$0x160]  }
0xa2: {  	v33 =	vld [tilespmem:s23+$0x8160]  }
0xa3: {  	v34 =	vld [tilespmem:s23+$0x170]  }
0xa4: {  	v35 =	vld [tilespmem:s23+$0x8170]  }
0xa5: {  	v36 =	vld [tilespmem:s23+$0x500]  }
0xa6: {  	s22 =	sshll.u32 s21, $0x5;
	p0 =	seq.s32 s21, $0x3;
	v37 =	vld [tilespmem:s23+$0x8500]  }
0xa7: {  	v38 =	vld @!p0 [tilespmem:s22+$0xA0]  }
0xa8: {  	v39 =	vld [tilespmem:s23+$0x510]  }
0xa9: {  	v40 =	vld [tilespmem:s23+$0x8510]  }
0xaa: {  	v41 =	vld [tilespmem:s23+$0x520]  }
0xab: {  	v16 =	vadd.f32 v18, v16;
	v18 =	vld [tilespmem:s23+$0x8520]  }
0xac: {  	v17 =	vmul.f32 v17, v17;
	v13 =	vsub.f32 v13, v14;
	v14 =	vld [tilespmem:s23+$0x530];
	v42 =	vshll.u32 @!p0 v38, $0x3  }
0xad: {  	v43 =	vld [tilespmem:s23+$0x8530];
	v44 =	vlaneseq.u32 @!p0;
	v38 =	vand.u32 @!p0 $0x7, v38;
	v42 =	vand.u32 @!p0 $0xFFFFFFC0, v42  }
0xae: {  	v45 =	vld [tilespmem:s23+$0x540];
	v46 =	vshrl.u32 @!p0 v44, $0x3;
	v38 =	vor.u32 @!p0 v38, v42;
	v42 =	vand.u32 @!p0 $0x7, v44  }
0xaf: {  	v47 =	vld [tilespmem:s23+$0x8540];
	v46 =	vmul.u32 @!p0 $0x8, v46;
	v42 =	vperm.xlane @!p0 v38, v42  }
0xb0: {  	v59 =	vld [tilespmem:s23+$0x8570];
	v16 =	vadd.f32 v17, v16;
	v13 =	vmul.f32 v13, v13;
	v11 =	vsub.f32 v11, v12  }
0xb1: {  	v12 =	vld [tilespmem:s23+$0x550];
	v42 =	vadd.s32 @!p0 v46, v42  }
0xb2: {  	v17 =	vld [tilespmem:s23+$0x8550];
	v13 =	vadd.f32 v13, v16;
	v11 =	vmul.f32 v11, v11;
	v15 =	vsub.f32 v15, v19  }
0xb3: {  	v16 =	vld [tilespmem:s23+$0x560]  }
0xb4: {  	v19 =	vld [tilespmem:s23+$0x8560];
	v20 =	vsub.f32 v20, v21;
	v11 =	vadd.f32 v11, v13;
	v13 =	vmul.f32 v15, v15  }
0xb5: {  	vm1 =	vmmov @!p0 $0xffff;
	s24 =	simm.s32 @!p0 $0x0;
	v22 =	vsub.f32 v22, v23;
	v15 =	vld [tilespmem:s23+$0x570];
	s23 =	simm.s32 @!p0 $0x100  }
0xb6: {  	v11 =	vadd.f32 v13, v11;
	v13 =	vmul.f32 v20, v20;
	v20 =	vor.u32 @!p0 $0x8, v44;
	[tilespmem:s23], [sflag:$0x1] =	stream.indirect_vreg.gather @!p0 [hbm4b:s2+s24], $0x80, v42, vm1, $0xb8;
	[tilespmem:$0x10180] =	vst v63  }
0xb7: {  	v20 =	vperm.xlane @!p0 v38, v20;
	s23 =	simm.s32 @!p0 $0x900  }
0xb8: {  	v22 =	vmul.f32 v22, v22;
	[tilespmem:s23], [sflag:$0x1] =	stream.indirect_vreg.gather @!p0 [hbm4b:s9+s24], $0x80, v42, vm1, $0xb8;
	[tilespmem:$0x10180] =	vst v63  }
0xb9: {  	v11 =	vadd.f32 v13, v11;
	v13 =	vsub.f32 v24, v25;
	v20 =	vadd.s32 @!p0 v46, v20;
	s23 =	simm.s32 @!p0 $0x1100  }
0xba: {  	[tilespmem:s23], [sflag:$0x1] =	stream.indirect_vreg.gather @!p0 [hbm4b:s10+s24], $0x80, v42, vm1, $0xb8;
	[tilespmem:$0x10180] =	vst v63  }
0xbb: {  	v60 =	vsub.f32 v26, v27;
	v11 =	vadd.f32 v22, v11;
	v13 =	vmul.f32 v13, v13;
	s23 =	simm.s32 @!p0 $0x1900  }
0xbc: {  	[tilespmem:s23], [sflag:$0x1] =	stream.indirect_vreg.gather @!p0 [hbm4b:s11+s24], $0x80, v42, vm1, $0xb8;
	[tilespmem:$0x10180] =	vst v63  }
0xbd: {  	v22 =	vmul.f32 v60, v60;
	v11 =	vadd.f32 v13, v11;
	v13 =	vsub.f32 v28, v29;
	s23 =	simm.s32 @!p0 $0x2100  }
0xbe: {  	[tilespmem:s23], [sflag:$0x1] =	stream.indirect_vreg.gather @!p0 [hbm4b:s2+s24], $0x80, v20, vm1, $0xb8;
	[tilespmem:$0x10180] =	vst v63  }
0xbf: {  	v61 =	vsub.f32 v30, v31;
	v11 =	vadd.f32 v22, v11;
	v13 =	vmul.f32 v13, v13;
	s23 =	simm.s32 @!p0 $0x2900  }
0xc0: {  	[tilespmem:s23], [sflag:$0x1] =	stream.indirect_vreg.gather @!p0 [hbm4b:s9+s24], $0x80, v20, vm1, $0xb8;
	[tilespmem:$0x10180] =	vst v63  }
0xc1: {  	v11 =	vadd.f32 v13, v11;
	v13 =	vmul.f32 v61, v61;
	s23 =	simm.s32 @!p0 $0x3100  }
0xc2: {  	v62 =	vsub.f32 v32, v33;
	[tilespmem:s23], [sflag:$0x1] =	stream.indirect_vreg.gather @!p0 [hbm4b:s10+s24], $0x80, v20, vm1, $0xb8;
	[tilespmem:$0x10180] =	vst v63  }
0xc3: {  	v11 =	vadd.f32 v13, v11;
	s23 =	simm.s32 @!p0 $0x3900  }
0xc4: {  	v13 =	vsub.f32 v34, v35;
	[tilespmem:s23], [sflag:$0x1] =	stream.indirect_vreg.gather @!p0 [hbm4b:s11+s24], $0x80, v20, vm1, $0xb8;
	v20 =	vmul.f32 v62, v62;
	[tilespmem:$0x10180] =	vst v63  }
0xc5: {  	s23 =	sadd.s32 @!p0 s5, s22  }
0xc6: {  	v13 =	vmul.f32 v13, v13;
	s23 =	sshll.u32 @!p0 s23, $0x7;
	v11 =	vadd.f32 v20, v11;
	v20 =	vsub.f32 v36, v37  }
0xc7: {  	s23 =	sadd.s32 @!p0 s1, s23  }
0xc8: {  	s26 =	simm.s32 @!p0 $0x8100;
	s25 =	sadd.s32 @!p0 $0x1000, s23;
	v11 =	vadd.f32 v13, v11;
	v13 =	vsub.f32 v39, v40;
	v20 =	vmul.f32 v20, v20  }
0xc9: {  	[tilespmem:s26], [sflag:$0x3] =	stream.linear.gather @!p0 [hbm4b:s25+s24], $0x4000, $0x38;
	[tilespmem:$0x10180] =	vst v63  }
0xca: {  	v18 =	vsub.f32 v41, v18;
	_ =	swait.ge [sflag:s17], $0x4000;
	v11 =	vadd.f32 v20, v11;
	v13 =	vmul.f32 v13, v13  }
0xcb: {  	[sflag:s17] =	ssyncset.done $0x0  }
0xcc: {  	s25 =	simm.s32 $0x0;
	[sflag:s17] =	ssyncadd.s32 $0xFFFFC000;
	v11 =	vadd.f32 v13, v11;
	v13 =	vsub.f32 v14, v43;
	v14 =	vmul.f32 v18, v18  }
0xcd: {  	s26 =	sand.u32 $0x1800, s25;
	s31 =	sand.u32 $0x380, s25;
	_ =	swait.ge [sflag:s18], $0x4000  }
0xce: {  	s24 =	sand.u32 $0x2000, s25;
	s25 =	sor.u32 s26, s31;
	[sflag:s18] =	ssyncset.done $0x0;
	v11 =	vadd.f32 v14, v11;
	v14 =	vsub.f32 v45, v47;
	v13 =	vmul.f32 v13, v13  }
0xcf: {  	s24 =	sor.u32 s25, s24;
	[sflag:s18] =	ssyncadd.s32 $0xFFFFC000  }
0xd0: {  	v12 =	vsub.f32 v12, v17;
	v17 =	vld [tilespmem:s24+$0xC100];
	v11 =	vadd.f32 v13, v11;
	v13 =	vmul.f32 v14, v14  }
0xd1: {  	v14 =	vld [tilespmem:s24+$0x4100]  }
0xd2: {  	v12 =	vmul.f32 v12, v12;
	v18 =	vld [tilespmem:s24+$0xC110];
	v11 =	vadd.f32 v13, v11;
	v13 =	vsub.f32 v16, v19  }
0xd3: {  	v16 =	vld [tilespmem:s24+$0x4110]  }
0xd4: {  	v19 =	vld [tilespmem:s24+$0xC120];
	v11 =	vadd.f32 v12, v11;
	v12 =	vmul.f32 v13, v13;
	v13 =	vsub.f32 v15, v59  }
0xd5: {  	v15 =	vld [tilespmem:s24+$0x4120]  }
0xd6: {  	v11 =	vadd.f32 v12, v11;
	v12 =	vmul.f32 v13, v13;
	v13 =	vsub.f32 v14, v17;
	v14 =	vld [tilespmem:s24+$0x4130]  }
0xd7: {  	v17 =	vld [tilespmem:s24+$0xC130]  }
0xd8: {  	v11 =	vadd.f32 v12, v11;
	v12 =	vmul.f32 v13, v13;
	v13 =	vsub.f32 v16, v18;
	v16 =	vld [tilespmem:s24+$0x4140]  }
0xd9: {  	v18 =	vld [tilespmem:s24+$0xC140]  }
0xda: {  	v11 =	vadd.f32 v12, v11;
	v12 =	vmul.f32 v13, v13;
	v13 =	vsub.f32 v15, v19;
	v15 =	vld [tilespmem:s24+$0x4150]  }
0xdb: {  	v19 =	vld [tilespmem:s24+$0xC150]  }
0xdc: {  	v11 =	vadd.f32 v12, v11;
	v12 =	vmul.f32 v13, v13;
	v13 =	vsub.f32 v14, v17;
	v14 =	vld [tilespmem:s24+$0x4160]  }
0xdd: {  	v17 =	vld [tilespmem:s24+$0xC160]  }
0xde: {  	v11 =	vadd.f32 v12, v11;
	v12 =	vmul.f32 v13, v13;
	v13 =	vsub.f32 v16, v18;
	v16 =	vld [tilespmem:s24+$0x4170]  }
0xdf: {  	v18 =	vld [tilespmem:s24+$0xC170]  }
0xe0: {  	v11 =	vadd.f32 v12, v11;
	v12 =	vmul.f32 v13, v13;
	v13 =	vsub.f32 v15, v19;
	v15 =	vld [tilespmem:s24+$0x4500]  }
0xe1: {  	v19 =	vld [tilespmem:s24+$0xC500]  }
0xe2: {  	v11 =	vadd.f32 v12, v11;
	v12 =	vmul.f32 v13, v13;
	v13 =	vsub.f32 v14, v17;
	v14 =	vld [tilespmem:s24+$0x4510]  }
0xe3: {  	v17 =	vld [tilespmem:s24+$0xC510]  }
0xe4: {  	v11 =	vadd.f32 v12, v11;
	v12 =	vmul.f32 v13, v13;
	v13 =	vsub.f32 v16, v18;
	v16 =	vld [tilespmem:s24+$0x4520]  }
0xe5: {  	v18 =	vld [tilespmem:s24+$0xC520]  }
0xe6: {  	v11 =	vadd.f32 v12, v11;
	v12 =	vmul.f32 v13, v13;
	v13 =	vsub.f32 v15, v19;
	v15 =	vld [tilespmem:s24+$0x4530]  }
0xe7: {  	v19 =	vld [tilespmem:s24+$0xC530]  }
0xe8: {  	v20 =	vld [tilespmem:s24+$0x4540];
	v11 =	vadd.f32 v12, v11;
	v12 =	vmul.f32 v13, v13;
	v13 =	vsub.f32 v14, v17  }
0xe9: {  	v63 =	vld [tilespmem:s24+$0xC540]  }
0xea: {  	v16 =	vsub.f32 v16, v18;
	v12 =	vadd.f32 v12, v11;
	v14 =	vmul.f32 v13, v13;
	v11 =	vld [tilespmem:s24+$0x4550]  }
0xeb: {  	v13 =	vld [tilespmem:s24+$0xC550]  }
0xec: {  	s21 =	sadd.s32 $0x1, s21;
	s31 =	simm.s32 $0x800;
	s25 =	simm.s32 $0x20;
	v16 =	vmul.f32 v16, v16;
	v15 =	vsub.f32 v15, v19;
	v17 =	vadd.f32 v14, v12;
	v12 =	vld [tilespmem:s24+$0x4560]  }
0xed: {  	s26 =	simm.s32 $0x100;
	s28 =	sand.u32 $0x1800, s31;
	s30 =	sand.u32 $0x380, s25;
	v14 =	vld [tilespmem:s24+$0xC560]  }
0xee: {  	s29 =	sand.u32 $0x2000, s26;
	s30 =	sor.u32 s28, s30;
	s28 =	simm.s32 $0x1000;
	v18 =	vsub.f32 v20, v63;
	v16 =	vadd.f32 v16, v17;
	v17 =	vmul.f32 v15, v15;
	v15 =	vld [tilespmem:s24+$0x4570]  }
.LBB2_5:
0xef: {  	p1 =	sne.s32 s28, $0x1F800;
	v19 =	vld [tilespmem:s24+$0xC570];
	s24 =	sor.u32 s30, s29  }
0xf0: {  	v20 =	vld [tilespmem:s24+$0x4100];
	v16 =	vadd.f32 v17, v16;
	v17 =	vmul.f32 v18, v18;
	v11 =	vsub.f32 v11, v13  }
0xf1: {  	v13 =	vld [tilespmem:s24+$0xC100]  }
0xf2: {  	v18 =	vld [tilespmem:s24+$0x4110];
	v16 =	vadd.f32 v17, v16;
	v11 =	vmul.f32 v11, v11;
	v12 =	vsub.f32 v12, v14  }
0xf3: {  	v14 =	vld [tilespmem:s24+$0xC110]  }
0xf4: {  	v17 =	vld [tilespmem:s24+$0x4120];
	v11 =	vadd.f32 v11, v16;
	v12 =	vmul.f32 v12, v12;
	v15 =	vsub.f32 v15, v19  }
0xf5: {  	v16 =	vld [tilespmem:s24+$0xC120]  }
0xf6: {  	v13 =	vsub.f32 v20, v13;
	v19 =	vld [tilespmem:s24+$0x4130];
	v11 =	vadd.f32 v12, v11;
	v12 =	vmul.f32 v15, v15  }
0xf7: {  	v15 =	vld [tilespmem:s24+$0xC130]  }
0xf8: {  	v13 =	vmul.f32 v13, v13;
	v14 =	vsub.f32 v18, v14;
	v18 =	vld [tilespmem:s24+$0x4140];
	v11 =	vadd.f32 v12, v11  }
0xf9: {  	v12 =	vld [tilespmem:s24+$0xC140]  }
0xfa: {  	v11 =	vadd.f32 v13, v11;
	v13 =	vmul.f32 v14, v14;
	v14 =	vsub.f32 v17, v16;
	v16 =	vld [tilespmem:s24+$0x4150]  }
0xfb: {  	v17 =	vld [tilespmem:s24+$0xC150]  }
0xfc: {  	v11 =	vadd.f32 v13, v11;
	v13 =	vmul.f32 v14, v14;
	v14 =	vsub.f32 v19, v15;
	v15 =	vld [tilespmem:s24+$0x4160]  }
0xfd: {  	v19 =	vld [tilespmem:s24+$0xC160]  }
0xfe: {  	v11 =	vadd.f32 v13, v11;
	v13 =	vmul.f32 v14, v14;
	v12 =	vsub.f32 v18, v12;
	v14 =	vld [tilespmem:s24+$0x4170]  }
0xff: {  	v18 =	vld [tilespmem:s24+$0xC170]  }
0x100: {  	v11 =	vadd.f32 v13, v11;
	v12 =	vmul.f32 v12, v12;
	v13 =	vsub.f32 v16, v17;
	v16 =	vld [tilespmem:s24+$0x4500]  }
0x101: {  	v17 =	vld [tilespmem:s24+$0xC500]  }
0x102: {  	v11 =	vadd.f32 v12, v11;
	v12 =	vmul.f32 v13, v13;
	v13 =	vsub.f32 v15, v19;
	v15 =	vld [tilespmem:s24+$0x4510]  }
0x103: {  	v19 =	vld [tilespmem:s24+$0xC510]  }
0x104: {  	v11 =	vadd.f32 v12, v11;
	v12 =	vmul.f32 v13, v13;
	v13 =	vsub.f32 v14, v18;
	v14 =	vld [tilespmem:s24+$0x4520]  }
0x105: {  	v18 =	vld [tilespmem:s24+$0xC520]  }
0x106: {  	v11 =	vadd.f32 v12, v11;
	v12 =	vmul.f32 v13, v13;
	v13 =	vsub.f32 v16, v17;
	v16 =	vld [tilespmem:s24+$0x4530]  }
0x107: {  	v17 =	vld [tilespmem:s24+$0xC530]  }
0x108: {  	v11 =	vadd.f32 v12, v11;
	v12 =	vmul.f32 v13, v13;
	v13 =	vsub.f32 v15, v19;
	v15 =	vld [tilespmem:s24+$0x4540]  }
0x109: {  	v19 =	vld [tilespmem:s24+$0xC540]  }
.Ltmp1:
0x10a: {  	v12 =	vadd.f32 v12, v11;
	v20 =	vmul.f32 v13, v13;
	v14 =	vsub.f32 v14, v18;
	v11 =	vld [tilespmem:s24+$0x4550];
	(pc) =	sbr.rel @p1 .LBB2_5-.Ltmp1, $4  }
0x10b: {  	v13 =	vld [tilespmem:s24+$0xC550]  }
0x10c: {  	s25 =	sadd.s32 $0x20, s25;
	v18 =	vadd.f32 v20, v12;
	v20 =	vmul.f32 v14, v14;
	v17 =	vsub.f32 v16, v17;
	v12 =	vld [tilespmem:s24+$0x4560]  }
0x10d: {  	s30 =	sand.u32 $0x1800, s28;
	s26 =	sadd.s32 $0x100, s26;
	s31 =	sand.u32 $0x380, s25;
	v14 =	vld [tilespmem:s24+$0xC560]  }
0x10e: {  	s28 =	sadd.s32 $0x800, s28;
	s29 =	sand.u32 $0x2000, s26;
	s30 =	sor.u32 s30, s31;
	v16 =	vadd.f32 v20, v18;
	v17 =	vmul.f32 v17, v17;
	v18 =	vsub.f32 v15, v19;
	v15 =	vld [tilespmem:s24+$0x4570]  }
0x10f: {  	s25 =	sor.u32 s30, s29;
	v19 =	vld [tilespmem:s24+$0xC570]  }
0x110: {  	v20 =	vld [tilespmem:s25+$0x4100]  }
0x111: {  	v21 =	vld [tilespmem:s25+$0xC100]  }
0x112: {  	v22 =	vld [tilespmem:s25+$0x4110]  }
0x113: {  	v23 =	vld [tilespmem:s25+$0xC110]  }
0x114: {  	v24 =	vld [tilespmem:s25+$0x4120]  }
0x115: {  	v25 =	vld [tilespmem:s25+$0xC120]  }
0x116: {  	v26 =	vld [tilespmem:s25+$0x4130]  }
0x117: {  	v27 =	vld [tilespmem:s25+$0xC130]  }
0x118: {  	v53 =	vld [tilespmem:s25+$0x4140]  }
0x119: {  	v54 =	vld [tilespmem:s25+$0xC140]  }
0x11a: {  	v55 =	vld [tilespmem:s25+$0x4150]  }
0x11b: {  	v56 =	vld [tilespmem:s25+$0xC150]  }
0x11c: {  	v57 =	vld [tilespmem:s25+$0x4160]  }
0x11d: {  	v58 =	vld [tilespmem:s25+$0xC160]  }
0x11e: {  	v16 =	vadd.f32 v17, v16;
	v52 =	vmul.f32 v18, v18;
	v11 =	vsub.f32 v11, v13;
	v60 =	vld [tilespmem:s25+$0x4170]  }
0x11f: {  	v61 =	vld [tilespmem:s25+$0xC170]  }
0x120: {  	v62 =	vld [tilespmem:s25+$0x4500];
	v16 =	vadd.f32 v52, v16;
	v11 =	vmul.f32 v11, v11;
	v12 =	vsub.f32 v12, v14  }
0x121: {  	v36 =	vsub.f32 v24, v25;
	v24 =	vld @!p0 [tilespmem:s22+$0xB0]  }
0x122: {  	v63 =	vld [tilespmem:s25+$0xC500];
	v11 =	vadd.f32 v11, v16;
	v12 =	vmul.f32 v12, v12;
	v15 =	vsub.f32 v15, v19  }
0x123: {  	v30 =	vlaneseq.u32 @!p0;
	v37 =	vld [tilespmem:s25+$0x4510]  }
0x124: {  	v39 =	vld [tilespmem:s25+$0xC510];
	v20 =	vsub.f32 v20, v21;
	v11 =	vadd.f32 v12, v11;
	v59 =	vmul.f32 v15, v15  }
0x125: {  	v40 =	vld [tilespmem:s25+$0x4520];
	v32 =	vshrl.u32 @!p0 v30, $0x3;
	v22 =	vsub.f32 v22, v23  }
0x126: {  	v41 =	vld [tilespmem:s25+$0xC520];
	v20 =	vmul.f32 v20, v20;
	v11 =	vadd.f32 v59, v11;
	v28 =	vshll.u32 @!p0 v24, $0x3  }
0x127: {  	v42 =	vld [tilespmem:s25+$0x4530];
	v35 =	vmul.f32 v22, v22;
	v24 =	vand.u32 @!p0 $0x7, v24;
	v28 =	vand.u32 @!p0 $0xFFFFFFC0, v28  }
0x128: {  	v29 =	vld [tilespmem:s25+$0xC530];
	v11 =	vadd.f32 v20, v11;
	v24 =	vor.u32 @!p0 v24, v28;
	v28 =	vand.u32 @!p0 $0x7, v30  }
0x129: {  	v31 =	vld [tilespmem:s25+$0x4540];
	v32 =	vmul.u32 @!p0 $0x8, v32;
	v28 =	vperm.xlane @!p0 v24, v28  }
0x12a: {  	v33 =	vld [tilespmem:s25+$0xC540];
	v26 =	vsub.f32 v26, v27;
	v38 =	vmul.f32 v36, v36;
	v11 =	vadd.f32 v35, v11  }
0x12b: {  	v43 =	vld [tilespmem:s25+$0x4550];
	v28 =	vadd.s32 @!p0 v32, v28  }
0x12c: {  	v44 =	vld [tilespmem:s25+$0xC550];
	v13 =	vsub.f32 v53, v54;
	v26 =	vmul.f32 v26, v26;
	v11 =	vadd.f32 v38, v11  }
0x12d: {  	v47 =	vld [tilespmem:s25+$0x4560]  }
0x12e: {  	v48 =	vld [tilespmem:s25+$0xC560];
	v14 =	vsub.f32 v55, v56;
	v13 =	vmul.f32 v13, v13;
	v11 =	vadd.f32 v26, v11  }
0x12f: {  	s24 =	simm.s32 @!p0 $0x4100;
	v51 =	vld [tilespmem:s25+$0x4570];
	v46 =	vsub.f32 v57, v58;
	s22 =	simm.s32 @!p0 $0x0  }
0x130: {  	v52 =	vld [tilespmem:s25+$0xC570];
	v45 =	vmul.f32 v14, v14;
	v14 =	vor.u32 @!p0 $0x8, v30;
	v11 =	vadd.f32 v13, v11;
	[tilespmem:s24], [sflag:$0x2] =	stream.indirect_vreg.gather @!p0 [hbm4b:s2+s22], $0x80, v28, vm1, $0xb8  }
0x131: {  	v50 =	vsub.f32 v60, v61;
	v14 =	vperm.xlane @!p0 v24, v14;
	s24 =	simm.s32 @!p0 $0x4900  }
0x132: {  	v49 =	vmul.f32 v46, v46;
	v11 =	vadd.f32 v45, v11;
	[tilespmem:s24], [sflag:$0x2] =	stream.indirect_vreg.gather @!p0 [hbm4b:s9+s22], $0x80, v28, vm1, $0xb8;
	[tilespmem:$0x10180] =	vst v63  }
0x133: {  	v12 =	vsub.f32 v62, v63;
	v14 =	vadd.s32 @!p0 v32, v14;
	s24 =	simm.s32 @!p0 $0x5100  }
0x134: {  	v53 =	vmul.f32 v50, v50;
	v11 =	vadd.f32 v49, v11;
	[tilespmem:s24], [sflag:$0x2] =	stream.indirect_vreg.gather @!p0 [hbm4b:s10+s22], $0x80, v28, vm1, $0xb8;
	[tilespmem:$0x10180] =	vst v63  }
0x135: {  	v54 =	vsub.f32 v37, v39;
	s24 =	simm.s32 @!p0 $0x5900  }
0x136: {  	v12 =	vmul.f32 v12, v12;
	v11 =	vadd.f32 v53, v11;
	[tilespmem:s24], [sflag:$0x2] =	stream.indirect_vreg.gather @!p0 [hbm4b:s11+s22], $0x80, v28, vm1, $0xb8;
	[tilespmem:$0x10180] =	vst v63  }
0x137: {  	v55 =	vsub.f32 v40, v41;
	s24 =	simm.s32 @!p0 $0x6100  }
0x138: {  	v13 =	vmul.f32 v54, v54;
	v11 =	vadd.f32 v12, v11;
	[tilespmem:s24], [sflag:$0x2] =	stream.indirect_vreg.gather @!p0 [hbm4b:s2+s22], $0x80, v14, vm1, $0xb8;
	[tilespmem:$0x10180] =	vst v63  }
0x139: {  	v56 =	vsub.f32 v42, v29;
	s24 =	simm.s32 @!p0 $0x6900  }
0x13a: {  	v12 =	vmul.f32 v55, v55;
	v11 =	vadd.f32 v13, v11;
	[tilespmem:s24], [sflag:$0x2] =	stream.indirect_vreg.gather @!p0 [hbm4b:s9+s22], $0x80, v14, vm1, $0xb8;
	[tilespmem:$0x10180] =	vst v63  }
0x13b: {  	v57 =	vsub.f32 v31, v33;
	s24 =	simm.s32 @!p0 $0x7100  }
0x13c: {  	v13 =	vmul.f32 v56, v56;
	v11 =	vadd.f32 v12, v11;
	[tilespmem:s24], [sflag:$0x2] =	stream.indirect_vreg.gather @!p0 [hbm4b:s10+s22], $0x80, v14, vm1, $0xb8;
	[tilespmem:$0x10180] =	vst v63  }
0x13d: {  	v58 =	vsub.f32 v43, v44;
	s24 =	simm.s32 @!p0 $0x7900  }
0x13e: {  	v12 =	vmul.f32 v57, v57;
	v11 =	vadd.f32 v13, v11;
	[tilespmem:s24], [sflag:$0x2] =	stream.indirect_vreg.gather @!p0 [hbm4b:s11+s22], $0x80, v14, vm1, $0xb8;
	[tilespmem:$0x10180] =	vst v63  }
0x13f: {  	s23 =	sadd.s32 @!p0 $0x1800, s23;
	p1 =	sne.s32 @!p0 s21, $0x4;
	s24 =	simm.s32 @!p0 $0xC100  }
0x140: {  	v60 =	vsub.f32 v47, v48;
	v59 =	vmul.f32 v58, v58;
	v11 =	vadd.f32 v12, v11;
	[tilespmem:s24], [sflag:$0x4] =	stream.linear.gather @!p0 [hbm4b:s23+s22], $0x4000, $0x38;
	[tilespmem:$0x10180] =	vst v63  }
0x141: {  	p0 =	por p0, !p1  }
.Ltmp2:
0x142: {  	v61 =	vmul.f32 v60, v60;
	v62 =	vsub.f32 v51, v52;
	v11 =	vadd.f32 v59, v11;
	(pc) =	sbr.rel @!p0 .LBB2_2-.Ltmp2, $3  }
0x143: {  	_ = 	snop  }
0x144: {  	v63 =	vmul.f32 v62, v62;
	v11 =	vadd.f32 v61, v11;
	_ =	sdelay $0x1  }
0x145: {  	v11 =	vadd.f32 v63, v11  }
0x146: {  	s20 =	sadd.s32 $0x1, s20  }
0x147: {  	p0 =	sne.s32 s20, s13  }
.Ltmp3:
0x148: {  	[tilespmem:$0x10100] =	vst v11;
	(pc) =	sbr.rel @p0 .LBB2_1-.Ltmp3, $4  }
0x149: {  	[hbm4b:s12+s4] =	stream.linear.scatter [tilespmem:s19], [sflag:$0x5], $0x80, $0x38;
	[tilespmem:$0x10180] =	vst v63  }
0x14a: {  	_ =	swait.ge [sflag:s16], $0x80  }
0x14b: {  	[sflag:s16] =	ssyncset.done $0x0  }
0x14c: {  	[sflag:s16] =	ssyncadd.s32 $0xFFFFFF80  }
0x14d: {  	_ =	sfence.sel $0x180000  }
0x14e: {  	[bflag:$0x0] =	sbarrier.arrive $0xFFFF  }
0x14f: {  	_ =	strace $0x90000047  }
0x150: {  	s0 =	stileid.u32;
	[bflag:$0x2] =	sbarrier.arrive $0xFFFF  }
0x151: {  	p0 =	sne.s32 s0, $0x0;
	s0 =	rddreg [dreg:$0x4]  }
0x152: {  	s0 =	sadd.s32 @!p0 $0x100000, s0  }
0x153: {  	[sflag:s0] =	ssyncadd.tile.s32 @!p0 $0x1;
	_ =	shalt  }
.Lfunc_end2:
_tile_overlayer_lowered:
.L_overlay_start_2:
0x154: {  	(tag) =	ssettag $0x2  }
0x155: {  	s0 =	rddreg [dreg:$0x0];
	s2 =	stileid.u32  }
0x156: {  	s1 =	rddreg [dreg:$0x1];
	p0 =	sne.s32 s2, $0x0  }
0x157: {  	s3 =	rddreg [dreg:$0x2];
	[bflag:$0x3] =	sbarrier.arrive $0xFFFF;
	s2 =	simm.s32 @!p0 $0x1C05  }
0x158: {  	[timem:s3], [sflag:s2] =	dma.local @!p0 [hbm:s0], s1  }
0x159: {  	s0 =	simm.s32 @!p0 $0x5  }
0x15a: {  	_ =	swait.ge @!p0 [sflag:s0], s1  }
0x15b: {  	s1 =	ssub.s32 @!p0 $0x0, s1;
	[sflag:s0] =	ssyncset.done @!p0 $0x0  }
0x15c: {  	[sflag:s0] =	ssyncadd.s32 @!p0 s1  }
0x15d: {  	[bflag:$0x3] =	sbarrier.arrive $0xFFFF  }
0x15e: {  	_ =	shalt  }

</sc_bundles>
